<compile_context>
chip_gen: v7x
topology: tpu7x:2x2x1
jax: 0.10.2.dev20260603
libtpu: 0.0.44.dev20260713+nightly
codegen_flags: <defaults>
</compile_context>

<pallas_src>
import functools

import jax
import jax.numpy as jnp
from jax import lax
from jax.experimental import pallas as pl
from jax.experimental.pallas import tpu as pltpu
from jax.experimental.pallas import tpu_sc as plsc

BATCH = 64
K = 16
H = 128
T = 8192
NC = 2
NS = 16
NWORK = NC * NS
BPW = BATCH // NWORK
LANES = 16

BBLK = 2


def _lookup_body(msg_hbm, emb_hbm, out_hbm, msg_v, idx_v, rows_v, acc_v, sem):
    wid = lax.axis_index("s") * NC + lax.axis_index("c")
    base = wid * BPW
    pltpu.sync_copy(msg_hbm.at[pl.ds(base, BPW)], msg_v)
    iota2 = lax.iota(jnp.int32, LANES) * 2
    for i in range(BPW):
        idx_v[pl.ds(i * K, K)] = msg_v[i] + iota2
    pltpu.async_copy(emb_hbm.at[idx_v], rows_v, sem).wait()
    for i in range(BPW):
        for h in range(H // LANES):
            sl = pl.ds(h * LANES, LANES)
            acc = rows_v[i * K, sl]
            for j in range(1, K):
                acc = acc + rows_v[i * K + j, sl]
            acc_v[i, sl] = acc
    pltpu.sync_copy(acc_v, out_hbm.at[pl.ds(base, BPW)])


@functools.cache
def _build_lookup():
    return pl.kernel(
        _lookup_body,
        out_type=jax.ShapeDtypeStruct((BATCH, H), jnp.float32),
        mesh=plsc.VectorSubcoreMesh(core_axis_name="c", subcore_axis_name="s",
                                    num_cores=NC),
        scratch_types=[
            pltpu.VMEM((BPW, K), jnp.int32),
            pltpu.VMEM((BPW * K,), jnp.int32),
            pltpu.VMEM((BPW * K, H), jnp.float32),
            pltpu.VMEM((BPW, H), jnp.float32),
            pltpu.SemaphoreType.DMA,
        ],
    )


def _add_body(h_ref, m_ref, o_ref):
    b = pl.program_id(0)
    o_ref[...] = h_ref[...] + m_ref[pl.ds(b * BBLK, BBLK)][:, :, None]


def kernel(hidden, msg, emb_weight):
    msg_aux = _build_lookup()(msg.astype(jnp.int32), emb_weight)
    return pl.pallas_call(
        _add_body,
        grid=(BATCH // BBLK,),
        in_specs=[
            pl.BlockSpec((BBLK, H, T), lambda b: (b, 0, 0)),
            pl.BlockSpec((BATCH, H), lambda b: (0, 0)),
        ],
        out_specs=pl.BlockSpec((BBLK, H, T), lambda b: (b, 0, 0)),
        out_shape=jax.ShapeDtypeStruct((BATCH, H, T), jnp.float32),
        compiler_params=pltpu.CompilerParams(
            dimension_semantics=("parallel",),
        ),
    )(hidden, msg_aux)

# --- scband reference (transcript-rebuilt; emitter-appended) ---
"""Pipeline reference for scband-msg-processor-10531259810041 (READ-ONLY COPY).

The authoritative reference and input builder live on the scoring server;
editing this copy changes nothing except your own understanding.
"""

import jax, jax.numpy as jnp
import numpy as np

NBITS = 16
HIDDEN_SIZE = 128

def setup_inputs(seed: int = 0) -> dict:
    key = jax.random.key(seed)
    k1, k2, k3 = jax.random.split(key, 3)
    hidden = jax.random.normal(k1, (64, 128, 8192), dtype=jnp.float32)
    msg = jax.random.randint(k2, (64, 16), 0, 2, dtype=jnp.int64)
    emb_weight = jax.random.normal(k3, (2 * NBITS, HIDDEN_SIZE), dtype=jnp.float32)
    return {"hidden": hidden, "msg": msg, "emb_weight": emb_weight}

def reference(hidden, msg, emb_weight):
    # indices = 2*arange(k) broadcast over batch, offset by the bit values
    b = msg.shape[0]
    k = msg.shape[-1]
    indices = 2 * jnp.arange(k)
    indices = jnp.tile(indices[None, :], (b, 1))
    indices = (indices + msg).astype(jnp.int32)  # [B, k] in [0, 2*nbits)
    msg_aux = jnp.take(emb_weight, indices, axis=0)  # [B, k, H] embedding gather
    msg_aux = jnp.sum(msg_aux, axis=-2)              # [B, H]
    msg_aux = jnp.repeat(msg_aux[:, :, None], hidden.shape[2], axis=2)  # [B, H, T]
    return hidden + msg_aux

if __name__ == "__main__":
    import jax
    _d = setup_inputs()
    print(jax.jit(kernel)(*tuple(_d.values())))

</pallas_src>

<mosaic_0001>
#map = affine_map<(d0, d1) -> (0, 0)>
module attributes {stable_mosaic.version = 14 : i64} {
  func.func @_lookup_body(%arg0: i32, %arg1: i32, %arg2: memref<64x16xi32, #tpu.memory_space<hbm>>, %arg3: memref<32x128xf32, #tpu.memory_space<hbm>>, %arg4: memref<64x128xf32, #tpu.memory_space<hbm>>, %arg5: memref<2x16xi32, #tpu.memory_space<vmem>>, %arg6: memref<32xi32, #tpu.memory_space<vmem>>, %arg7: memref<32x128xf32, #tpu.memory_space<vmem>>, %arg8: memref<2x128xf32, #tpu.memory_space<vmem>>, %arg9: memref<!tpu.dma_semaphore, #tpu.memory_space<semaphore_mem>>) attributes {dimension_semantics = [#tpu.dimension_semantics<core_parallel>, #tpu.dimension_semantics<subcore_parallel>], iteration_bounds = array<i64: 2, 16>, scalar_prefetch = 0 : i64, scratch_operands = 5 : i64, tpu.core_type = #tpu.core_type<sc_vector_subcore>, window_params = [{transform_indices = #map}, {transform_indices = #map}, {transform_indices = #map}]} {
    %mul3A = arith.constant 2 : i32
    %mul3A_0 = arith.muli %arg1, %mul3A : i32
    %add3A = arith.addi %mul3A_0, %arg0 : i32
    %mul3A_1 = arith.constant 2 : i32
    %mul3A_2 = arith.muli %add3A, %mul3A_1 : i32
    "tpu.region"() ({
      %run_scoped3A = tpu.sem_alloc : memref<!tpu.dma_semaphore, #tpu.memory_space<semaphore_mem>>
      %dma_start3A_1644 = arith.constant 0 : i32
      %dma_start3A_1645 = tpu.memref_slice %arg2[%mul3A_2, %dma_start3A_1644] : memref<64x16xi32, #tpu.memory_space<hbm>> -> memref<2x16xi32, #tpu.memory_space<hbm>>
      %dma_start3A_1646 = arith.constant 0 : i32
      %dma_start3A_1647 = tpu.memref_slice %arg2[%mul3A_2, %dma_start3A_1646] : memref<64x16xi32, #tpu.memory_space<hbm>> -> memref<2x16xi32, #tpu.memory_space<hbm>>
      tpu.enqueue_dma source(%dma_start3A_1647 : memref<2x16xi32, #tpu.memory_space<hbm>>) target(%arg5 : memref<2x16xi32, #tpu.memory_space<vmem>>) target_semaphore(%run_scoped3A : memref<!tpu.dma_semaphore, #tpu.memory_space<semaphore_mem>>)
      %dma_wait3A_1648 = arith.constant 0 : i32
      %dma_wait3A_1649 = tpu.memref_slice %arg2[%mul3A_2, %dma_wait3A_1648] : memref<64x16xi32, #tpu.memory_space<hbm>> -> memref<2x16xi32, #tpu.memory_space<hbm>>
      %dma_wait3A_1650 = arith.constant 0 : i32
      %dma_wait3A_1651 = tpu.memref_slice %arg2[%mul3A_2, %dma_wait3A_1650] : memref<64x16xi32, #tpu.memory_space<hbm>> -> memref<2x16xi32, #tpu.memory_space<hbm>>
      tpu.wait_dma2 semaphore(%run_scoped3A : memref<!tpu.dma_semaphore, #tpu.memory_space<semaphore_mem>>) src(%dma_wait3A_1651 : memref<2x16xi32, #tpu.memory_space<hbm>>) dst(%arg5 : memref<2x16xi32, #tpu.memory_space<vmem>>)
      tpu.yield
    }) : () -> ()
    %iota3A = tpu.iota {dimensions = array<i32: 0>} : vector<16xi32>
    %mul3A_3 = arith.constant 2 : i32
    %mul3A_4 = vector.broadcast %mul3A_3 : i32 to vector<16xi32>
    %mul3A_5 = arith.muli %iota3A, %mul3A_4 : vector<16xi32>
    %get3A = arith.constant 0 : i32
    %get3A_6 = arith.index_cast %get3A : i32 to index
    %get3A_7 = arith.constant 0 : index
    %get3A_8 = tpu.vector_load %arg5[%get3A_6, %get3A_7] {strides = array<i32>} : memref<2x16xi32, #tpu.memory_space<vmem>>, vector<1x16xi32>,
    %get3A_9 = vector.shape_cast %get3A_8 : vector<1x16xi32> to vector<16xi32>
    %add3A_10 = arith.addi %get3A_9, %mul3A_5 : vector<16xi32>
    %swap3A = arith.constant 0 : index
    %swap3A_11 = tpu.vector_load %arg6[%swap3A] {strides = array<i32>} : memref<32xi32, #tpu.memory_space<vmem>>, vector<16xi32>,
    %swap3A_12 = vector.shape_cast %swap3A_11 : vector<16xi32> to vector<16xi32>
    %swap3A_13 = vector.shape_cast %add3A_10 : vector<16xi32> to vector<16xi32>
    tpu.vector_store %arg6[%swap3A], %swap3A_13 {strides = array<i32>} : memref<32xi32, #tpu.memory_space<vmem>>, vector<16xi32>,
    %get3A_14 = arith.constant 1 : i32
    %get3A_15 = arith.index_cast %get3A_14 : i32 to index
    %get3A_16 = arith.constant 0 : index
    %get3A_17 = tpu.vector_load %arg5[%get3A_15, %get3A_16] {strides = array<i32>} : memref<2x16xi32, #tpu.memory_space<vmem>>, vector<1x16xi32>,
    %get3A_18 = vector.shape_cast %get3A_17 : vector<1x16xi32> to vector<16xi32>
    %add3A_19 = arith.addi %get3A_18, %mul3A_5 : vector<16xi32>
    %swap3A_20 = arith.constant 16 : index
    %swap3A_21 = tpu.vector_load %arg6[%swap3A_20] {strides = array<i32>} : memref<32xi32, #tpu.memory_space<vmem>>, vector<16xi32>,
    %swap3A_22 = vector.shape_cast %swap3A_21 : vector<16xi32> to vector<16xi32>
    %swap3A_23 = vector.shape_cast %add3A_19 : vector<16xi32> to vector<16xi32>
    tpu.vector_store %arg6[%swap3A_20], %swap3A_23 {strides = array<i32>} : memref<32xi32, #tpu.memory_space<vmem>>, vector<16xi32>,
    %dma_start3A = arith.constant 0 : i32
    %dma_start3A_24 = arith.constant 0 : i32
    %dma_start3A_25 = tpu.memref_slice %arg3[%dma_start3A, %dma_start3A_24] : memref<32x128xf32, #tpu.memory_space<hbm>> -> memref<32x128xf32, #tpu.memory_space<hbm>>
    tpu.enqueue_indirect_dma source(%dma_start3A_25 : memref<32x128xf32, #tpu.memory_space<hbm>>) target(%arg7 : memref<32x128xf32, #tpu.memory_space<vmem>>) offsets(%arg6 : memref<32xi32, #tpu.memory_space<vmem>>) semaphore(%arg9 : memref<!tpu.dma_semaphore, #tpu.memory_space<semaphore_mem>>)
    %dma_wait3A = arith.constant 0 : i32
    %dma_wait3A_26 = arith.constant 0 : i32
    %dma_wait3A_27 = tpu.memref_slice %arg3[%dma_wait3A, %dma_wait3A_26] : memref<32x128xf32, #tpu.memory_space<hbm>> -> memref<32x128xf32, #tpu.memory_space<hbm>>
    tpu.wait_indirect_dma semaphore(%arg9 : memref<!tpu.dma_semaphore, #tpu.memory_space<semaphore_mem>>) src(%dma_wait3A_27 : memref<32x128xf32, #tpu.memory_space<hbm>>) dst(%arg7 : memref<32x128xf32, #tpu.memory_space<vmem>>)
    %get3A_28 = arith.constant 0 : i32
    %get3A_29 = arith.index_cast %get3A_28 : i32 to index
    %get3A_30 = arith.constant 0 : index
    %get3A_31 = tpu.vector_load %arg7[%get3A_29, %get3A_30] {strides = array<i32>} : memref<32x128xf32, #tpu.memory_space<vmem>>, vector<1x16xf32>,
    %get3A_32 = vector.shape_cast %get3A_31 : vector<1x16xf32> to vector<16xf32>
    %get3A_33 = arith.constant 1 : i32
    %get3A_34 = arith.index_cast %get3A_33 : i32 to index
    %get3A_35 = arith.constant 0 : index
    %get3A_36 = tpu.vector_load %arg7[%get3A_34, %get3A_35] {strides = array<i32>} : memref<32x128xf32, #tpu.memory_space<vmem>>, vector<1x16xf32>,
    %get3A_37 = vector.shape_cast %get3A_36 : vector<1x16xf32> to vector<16xf32>
    %add3A_38 = arith.addf %get3A_32, %get3A_37 : vector<16xf32>
    %get3A_39 = arith.constant 2 : i32
    %get3A_40 = arith.index_cast %get3A_39 : i32 to index
    %get3A_41 = arith.constant 0 : index
    %get3A_42 = tpu.vector_load %arg7[%get3A_40, %get3A_41] {strides = array<i32>} : memref<32x128xf32, #tpu.memory_space<vmem>>, vector<1x16xf32>,
    %get3A_43 = vector.shape_cast %get3A_42 : vector<1x16xf32> to vector<16xf32>
    %add3A_44 = arith.addf %add3A_38, %get3A_43 : vector<16xf32>
    %get3A_45 = arith.constant 3 : i32
    %get3A_46 = arith.index_cast %get3A_45 : i32 to index
    %get3A_47 = arith.constant 0 : index
    %get3A_48 = tpu.vector_load %arg7[%get3A_46, %get3A_47] {strides = array<i32>} : memref<32x128xf32, #tpu.memory_space<vmem>>, vector<1x16xf32>,
    %get3A_49 = vector.shape_cast %get3A_48 : vector<1x16xf32> to vector<16xf32>
    %add3A_50 = arith.addf %add3A_44, %get3A_49 : vector<16xf32>
    %get3A_51 = arith.constant 4 : i32
    %get3A_52 = arith.index_cast %get3A_51 : i32 to index
    %get3A_53 = arith.constant 0 : index
    %get3A_54 = tpu.vector_load %arg7[%get3A_52, %get3A_53] {strides = array<i32>} : memref<32x128xf32, #tpu.memory_space<vmem>>, vector<1x16xf32>,
    %get3A_55 = vector.shape_cast %get3A_54 : vector<1x16xf32> to vector<16xf32>
    %add3A_56 = arith.addf %add3A_50, %get3A_55 : vector<16xf32>
    %get3A_57 = arith.constant 5 : i32
    %get3A_58 = arith.index_cast %get3A_57 : i32 to index
    %get3A_59 = arith.constant 0 : index
    %get3A_60 = tpu.vector_load %arg7[%get3A_58, %get3A_59] {strides = array<i32>} : memref<32x128xf32, #tpu.memory_space<vmem>>, vector<1x16xf32>,
    %get3A_61 = vector.shape_cast %get3A_60 : vector<1x16xf32> to vector<16xf32>
    %add3A_62 = arith.addf %add3A_56, %get3A_61 : vector<16xf32>
    %get3A_63 = arith.constant 6 : i32
    %get3A_64 = arith.index_cast %get3A_63 : i32 to index
    %get3A_65 = arith.constant 0 : index
    %get3A_66 = tpu.vector_load %arg7[%get3A_64, %get3A_65] {strides = array<i32>} : memref<32x128xf32, #tpu.memory_space<vmem>>, vector<1x16xf32>,
    %get3A_67 = vector.shape_cast %get3A_66 : vector<1x16xf32> to vector<16xf32>
    %add3A_68 = arith.addf %add3A_62, %get3A_67 : vector<16xf32>
    %get3A_69 = arith.constant 7 : i32
    %get3A_70 = arith.index_cast %get3A_69 : i32 to index
    %get3A_71 = arith.constant 0 : index
    %get3A_72 = tpu.vector_load %arg7[%get3A_70, %get3A_71] {strides = array<i32>} : memref<32x128xf32, #tpu.memory_space<vmem>>, vector<1x16xf32>,
    %get3A_73 = vector.shape_cast %get3A_72 : vector<1x16xf32> to vector<16xf32>
    %add3A_74 = arith.addf %add3A_68, %get3A_73 : vector<16xf32>
    %get3A_75 = arith.constant 8 : i32
    %get3A_76 = arith.index_cast %get3A_75 : i32 to index
    %get3A_77 = arith.constant 0 : index
    %get3A_78 = tpu.vector_load %arg7[%get3A_76, %get3A_77] {strides = array<i32>} : memref<32x128xf32, #tpu.memory_space<vmem>>, vector<1x16xf32>,
    %get3A_79 = vector.shape_cast %get3A_78 : vector<1x16xf32> to vector<16xf32>
    %add3A_80 = arith.addf %add3A_74, %get3A_79 : vector<16xf32>
    %get3A_81 = arith.constant 9 : i32
    %get3A_82 = arith.index_cast %get3A_81 : i32 to index
    %get3A_83 = arith.constant 0 : index
    %get3A_84 = tpu.vector_load %arg7[%get3A_82, %get3A_83] {strides = array<i32>} : memref<32x128xf32, #tpu.memory_space<vmem>>, vector<1x16xf32>,
    %get3A_85 = vector.shape_cast %get3A_84 : vector<1x16xf32> to vector<16xf32>
    %add3A_86 = arith.addf %add3A_80, %get3A_85 : vector<16xf32>
    %get3A_87 = arith.constant 10 : i32
    %get3A_88 = arith.index_cast %get3A_87 : i32 to index
    %get3A_89 = arith.constant 0 : index
    %get3A_90 = tpu.vector_load %arg7[%get3A_88, %get3A_89] {strides = array<i32>} : memref<32x128xf32, #tpu.memory_space<vmem>>, vector<1x16xf32>,
    %get3A_91 = vector.shape_cast %get3A_90 : vector<1x16xf32> to vector<16xf32>
    %add3A_92 = arith.addf %add3A_86, %get3A_91 : vector<16xf32>
    %get3A_93 = arith.constant 11 : i32
    %get3A_94 = arith.index_cast %get3A_93 : i32 to index
    %get3A_95 = arith.constant 0 : index
    %get3A_96 = tpu.vector_load %arg7[%get3A_94, %get3A_95] {strides = array<i32>} : memref<32x128xf32, #tpu.memory_space<vmem>>, vector<1x16xf32>,
    %get3A_97 = vector.shape_cast %get3A_96 : vector<1x16xf32> to vector<16xf32>
    %add3A_98 = arith.addf %add3A_92, %get3A_97 : vector<16xf32>
    %get3A_99 = arith.constant 12 : i32
    %get3A_100 = arith.index_cast %get3A_99 : i32 to index
    %get3A_101 = arith.constant 0 : index
    %get3A_102 = tpu.vector_load %arg7[%get3A_100, %get3A_101] {strides = array<i32>} : memref<32x128xf32, #tpu.memory_space<vmem>>, vector<1x16xf32>,
    %get3A_103 = vector.shape_cast %get3A_102 : vector<1x16xf32> to vector<16xf32>
    %add3A_104 = arith.addf %add3A_98, %get3A_103 : vector<16xf32>
    %get3A_105 = arith.constant 13 : i32
    %get3A_106 = arith.index_cast %get3A_105 : i32 to index
    %get3A_107 = arith.constant 0 : index
    %get3A_108 = tpu.vector_load %arg7[%get3A_106, %get3A_107] {strides = array<i32>} : memref<32x128xf32, #tpu.memory_space<vmem>>, vector<1x16xf32>,
    %get3A_109 = vector.shape_cast %get3A_108 : vector<1x16xf32> to vector<16xf32>
    %add3A_110 = arith.addf %add3A_104, %get3A_109 : vector<16xf32>
    %get3A_111 = arith.constant 14 : i32
    %get3A_112 = arith.index_cast %get3A_111 : i32 to index
    %get3A_113 = arith.constant 0 : index
    %get3A_114 = tpu.vector_load %arg7[%get3A_112, %get3A_113] {strides = array<i32>} : memref<32x128xf32, #tpu.memory_space<vmem>>, vector<1x16xf32>,
    %get3A_115 = vector.shape_cast %get3A_114 : vector<1x16xf32> to vector<16xf32>
    %add3A_116 = arith.addf %add3A_110, %get3A_115 : vector<16xf32>
    %get3A_117 = arith.constant 15 : i32
    %get3A_118 = arith.index_cast %get3A_117 : i32 to index
    %get3A_119 = arith.constant 0 : index
    %get3A_120 = tpu.vector_load %arg7[%get3A_118, %get3A_119] {strides = array<i32>} : memref<32x128xf32, #tpu.memory_space<vmem>>, vector<1x16xf32>,
    %get3A_121 = vector.shape_cast %get3A_120 : vector<1x16xf32> to vector<16xf32>
    %add3A_122 = arith.addf %add3A_116, %get3A_121 : vector<16xf32>
    %swap3A_123 = arith.constant 0 : i32
    %swap3A_124 = arith.index_cast %swap3A_123 : i32 to index
    %swap3A_125 = arith.constant 0 : index
    %swap3A_126 = tpu.vector_load %arg8[%swap3A_124, %swap3A_125] {strides = array<i32>} : memref<2x128xf32, #tpu.memory_space<vmem>>, vector<1x16xf32>,
    %swap3A_127 = vector.shape_cast %swap3A_126 : vector<1x16xf32> to vector<16xf32>
    %swap3A_128 = vector.shape_cast %add3A_122 : vector<16xf32> to vector<1x16xf32>
    tpu.vector_store %arg8[%swap3A_124, %swap3A_125], %swap3A_128 {strides = array<i32>} : memref<2x128xf32, #tpu.memory_space<vmem>>, vector<1x16xf32>,
    %get3A_129 = arith.constant 0 : i32
    %get3A_130 = arith.index_cast %get3A_129 : i32 to index
    %get3A_131 = arith.constant 16 : index
    %get3A_132 = tpu.vector_load %arg7[%get3A_130, %get3A_131] {strides = array<i32>} : memref<32x128xf32, #tpu.memory_space<vmem>>, vector<1x16xf32>,
    %get3A_133 = vector.shape_cast %get3A_132 : vector<1x16xf32> to vector<16xf32>
    %get3A_134 = arith.constant 1 : i32
    %get3A_135 = arith.index_cast %get3A_134 : i32 to index
    %get3A_136 = arith.constant 16 : index
    %get3A_137 = tpu.vector_load %arg7[%get3A_135, %get3A_136] {strides = array<i32>} : memref<32x128xf32, #tpu.memory_space<vmem>>, vector<1x16xf32>,
    %get3A_138 = vector.shape_cast %get3A_137 : vector<1x16xf32> to vector<16xf32>
    %add3A_139 = arith.addf %get3A_133, %get3A_138 : vector<16xf32>
    %get3A_140 = arith.constant 2 : i32
    %get3A_141 = arith.index_cast %get3A_140 : i32 to index
    %get3A_142 = arith.constant 16 : index
    %get3A_143 = tpu.vector_load %arg7[%get3A_141, %get3A_142] {strides = array<i32>} : memref<32x128xf32, #tpu.memory_space<vmem>>, vector<1x16xf32>,
    %get3A_144 = vector.shape_cast %get3A_143 : vector<1x16xf32> to vector<16xf32>
    %add3A_145 = arith.addf %add3A_139, %get3A_144 : vector<16xf32>
    %get3A_146 = arith.constant 3 : i32
    %get3A_147 = arith.index_cast %get3A_146 : i32 to index
    %get3A_148 = arith.constant 16 : index
    %get3A_149 = tpu.vector_load %arg7[%get3A_147, %get3A_148] {strides = array<i32>} : memref<32x128xf32, #tpu.memory_space<vmem>>, vector<1x16xf32>,
    %get3A_150 = vector.shape_cast %get3A_149 : vector<1x16xf32> to vector<16xf32>
    %add3A_151 = arith.addf %add3A_145, %get3A_150 : vector<16xf32>
    %get3A_152 = arith.constant 4 : i32
    %get3A_153 = arith.index_cast %get3A_152 : i32 to index
    %get3A_154 = arith.constant 16 : index
    %get3A_155 = tpu.vector_load %arg7[%get3A_153, %get3A_154] {strides = array<i32>} : memref<32x128xf32, #tpu.memory_space<vmem>>, vector<1x16xf32>,
    %get3A_156 = vector.shape_cast %get3A_155 : vector<1x16xf32> to vector<16xf32>
    %add3A_157 = arith.addf %add3A_151, %get3A_156 : vector<16xf32>
    %get3A_158 = arith.constant 5 : i32
    %get3A_159 = arith.index_cast %get3A_158 : i32 to index
    %get3A_160 = arith.constant 16 : index
    %get3A_161 = tpu.vector_load %arg7[%get3A_159, %get3A_160] {strides = array<i32>} : memref<32x128xf32, #tpu.memory_space<vmem>>, vector<1x16xf32>,
    %get3A_162 = vector.shape_cast %get3A_161 : vector<1x16xf32> to vector<16xf32>
    %add3A_163 = arith.addf %add3A_157, %get3A_162 : vector<16xf32>
    %get3A_164 = arith.constant 6 : i32
    %get3A_165 = arith.index_cast %get3A_164 : i32 to index
    %get3A_166 = arith.constant 16 : index
    %get3A_167 = tpu.vector_load %arg7[%get3A_165, %get3A_166] {strides = array<i32>} : memref<32x128xf32, #tpu.memory_space<vmem>>, vector<1x16xf32>,
    %get3A_168 = vector.shape_cast %get3A_167 : vector<1x16xf32> to vector<16xf32>
    %add3A_169 = arith.addf %add3A_163, %get3A_168 : vector<16xf32>
    %get3A_170 = arith.constant 7 : i32
    %get3A_171 = arith.index_cast %get3A_170 : i32 to index
    %get3A_172 = arith.constant 16 : index
    %get3A_173 = tpu.vector_load %arg7[%get3A_171, %get3A_172] {strides = array<i32>} : memref<32x128xf32, #tpu.memory_space<vmem>>, vector<1x16xf32>,
    %get3A_174 = vector.shape_cast %get3A_173 : vector<1x16xf32> to vector<16xf32>
    %add3A_175 = arith.addf %add3A_169, %get3A_174 : vector<16xf32>
    %get3A_176 = arith.constant 8 : i32
    %get3A_177 = arith.index_cast %get3A_176 : i32 to index
    %get3A_178 = arith.constant 16 : index
    %get3A_179 = tpu.vector_load %arg7[%get3A_177, %get3A_178] {strides = array<i32>} : memref<32x128xf32, #tpu.memory_space<vmem>>, vector<1x16xf32>,
    %get3A_180 = vector.shape_cast %get3A_179 : vector<1x16xf32> to vector<16xf32>
    %add3A_181 = arith.addf %add3A_175, %get3A_180 : vector<16xf32>
    %get3A_182 = arith.constant 9 : i32
    %get3A_183 = arith.index_cast %get3A_182 : i32 to index
    %get3A_184 = arith.constant 16 : index
    %get3A_185 = tpu.vector_load %arg7[%get3A_183, %get3A_184] {strides = array<i32>} : memref<32x128xf32, #tpu.memory_space<vmem>>, vector<1x16xf32>,
    %get3A_186 = vector.shape_cast %get3A_185 : vector<1x16xf32> to vector<16xf32>
    %add3A_187 = arith.addf %add3A_181, %get3A_186 : vector<16xf32>
    %get3A_188 = arith.constant 10 : i32
    %get3A_189 = arith.index_cast %get3A_188 : i32 to index
    %get3A_190 = arith.constant 16 : index
    %get3A_191 = tpu.vector_load %arg7[%get3A_189, %get3A_190] {strides = array<i32>} : memref<32x128xf32, #tpu.memory_space<vmem>>, vector<1x16xf32>,
    %get3A_192 = vector.shape_cast %get3A_191 : vector<1x16xf32> to vector<16xf32>
    %add3A_193 = arith.addf %add3A_187, %get3A_192 : vector<16xf32>
    %get3A_194 = arith.constant 11 : i32
    %get3A_195 = arith.index_cast %get3A_194 : i32 to index
    %get3A_196 = arith.constant 16 : index
    %get3A_197 = tpu.vector_load %arg7[%get3A_195, %get3A_196] {strides = array<i32>} : memref<32x128xf32, #tpu.memory_space<vmem>>, vector<1x16xf32>,
    %get3A_198 = vector.shape_cast %get3A_197 : vector<1x16xf32> to vector<16xf32>
    %add3A_199 = arith.addf %add3A_193, %get3A_198 : vector<16xf32>
    %get3A_200 = arith.constant 12 : i32
    %get3A_201 = arith.index_cast %get3A_200 : i32 to index
    %get3A_202 = arith.constant 16 : index
    %get3A_203 = tpu.vector_load %arg7[%get3A_201, %get3A_202] {strides = array<i32>} : memref<32x128xf32, #tpu.memory_space<vmem>>, vector<1x16xf32>,
    %get3A_204 = vector.shape_cast %get3A_203 : vector<1x16xf32> to vector<16xf32>
    %add3A_205 = arith.addf %add3A_199, %get3A_204 : vector<16xf32>
    %get3A_206 = arith.constant 13 : i32
    %get3A_207 = arith.index_cast %get3A_206 : i32 to index
    %get3A_208 = arith.constant 16 : index
    %get3A_209 = tpu.vector_load %arg7[%get3A_207, %get3A_208] {strides = array<i32>} : memref<32x128xf32, #tpu.memory_space<vmem>>, vector<1x16xf32>,
    %get3A_210 = vector.shape_cast %get3A_209 : vector<1x16xf32> to vector<16xf32>
    %add3A_211 = arith.addf %add3A_205, %get3A_210 : vector<16xf32>
    %get3A_212 = arith.constant 14 : i32
    %get3A_213 = arith.index_cast %get3A_212 : i32 to index
    %get3A_214 = arith.constant 16 : index
    %get3A_215 = tpu.vector_load %arg7[%get3A_213, %get3A_214] {strides = array<i32>} : memref<32x128xf32, #tpu.memory_space<vmem>>, vector<1x16xf32>,
    %get3A_216 = vector.shape_cast %get3A_215 : vector<1x16xf32> to vector<16xf32>
    %add3A_217 = arith.addf %add3A_211, %get3A_216 : vector<16xf32>
    %get3A_218 = arith.constant 15 : i32
    %get3A_219 = arith.index_cast %get3A_218 : i32 to index
    %get3A_220 = arith.constant 16 : index
    %get3A_221 = tpu.vector_load %arg7[%get3A_219, %get3A_220] {strides = array<i32>} : memref<32x128xf32, #tpu.memory_space<vmem>>, vector<1x16xf32>,
    %get3A_222 = vector.shape_cast %get3A_221 : vector<1x16xf32> to vector<16xf32>
    %add3A_223 = arith.addf %add3A_217, %get3A_222 : vector<16xf32>
    %swap3A_224 = arith.constant 0 : i32
    %swap3A_225 = arith.index_cast %swap3A_224 : i32 to index
    %swap3A_226 = arith.constant 16 : index
    %swap3A_227 = tpu.vector_load %arg8[%swap3A_225, %swap3A_226] {strides = array<i32>} : memref<2x128xf32, #tpu.memory_space<vmem>>, vector<1x16xf32>,
    %swap3A_228 = vector.shape_cast %swap3A_227 : vector<1x16xf32> to vector<16xf32>
    %swap3A_229 = vector.shape_cast %add3A_223 : vector<16xf32> to vector<1x16xf32>
    tpu.vector_store %arg8[%swap3A_225, %swap3A_226], %swap3A_229 {strides = array<i32>} : memref<2x128xf32, #tpu.memory_space<vmem>>, vector<1x16xf32>,
    %get3A_230 = arith.constant 0 : i32
    %get3A_231 = arith.index_cast %get3A_230 : i32 to index
    %get3A_232 = arith.constant 32 : index
    %get3A_233 = tpu.vector_load %arg7[%get3A_231, %get3A_232] {strides = array<i32>} : memref<32x128xf32, #tpu.memory_space<vmem>>, vector<1x16xf32>,
    %get3A_234 = vector.shape_cast %get3A_233 : vector<1x16xf32> to vector<16xf32>
    %get3A_235 = arith.constant 1 : i32
    %get3A_236 = arith.index_cast %get3A_235 : i32 to index
    %get3A_237 = arith.constant 32 : index
    %get3A_238 = tpu.vector_load %arg7[%get3A_236, %get3A_237] {strides = array<i32>} : memref<32x128xf32, #tpu.memory_space<vmem>>, vector<1x16xf32>,
    %get3A_239 = vector.shape_cast %get3A_238 : vector<1x16xf32> to vector<16xf32>
    %add3A_240 = arith.addf %get3A_234, %get3A_239 : vector<16xf32>
    %get3A_241 = arith.constant 2 : i32
    %get3A_242 = arith.index_cast %get3A_241 : i32 to index
    %get3A_243 = arith.constant 32 : index
    %get3A_244 = tpu.vector_load %arg7[%get3A_242, %get3A_243] {strides = array<i32>} : memref<32x128xf32, #tpu.memory_space<vmem>>, vector<1x16xf32>,
    %get3A_245 = vector.shape_cast %get3A_244 : vector<1x16xf32> to vector<16xf32>
    %add3A_246 = arith.addf %add3A_240, %get3A_245 : vector<16xf32>
    %get3A_247 = arith.constant 3 : i32
    %get3A_248 = arith.index_cast %get3A_247 : i32 to index
    %get3A_249 = arith.constant 32 : index
    %get3A_250 = tpu.vector_load %arg7[%get3A_248, %get3A_249] {strides = array<i32>} : memref<32x128xf32, #tpu.memory_space<vmem>>, vector<1x16xf32>,
    %get3A_251 = vector.shape_cast %get3A_250 : vector<1x16xf32> to vector<16xf32>
    %add3A_252 = arith.addf %add3A_246, %get3A_251 : vector<16xf32>
    %get3A_253 = arith.constant 4 : i32
    %get3A_254 = arith.index_cast %get3A_253 : i32 to index
    %get3A_255 = arith.constant 32 : index
    %get3A_256 = tpu.vector_load %arg7[%get3A_254, %get3A_255] {strides = array<i32>} : memref<32x128xf32, #tpu.memory_space<vmem>>, vector<1x16xf32>,
    %get3A_257 = vector.shape_cast %get3A_256 : vector<1x16xf32> to vector<16xf32>
    %add3A_258 = arith.addf %add3A_252, %get3A_257 : vector<16xf32>
    %get3A_259 = arith.constant 5 : i32
    %get3A_260 = arith.index_cast %get3A_259 : i32 to index
    %get3A_261 = arith.constant 32 : index
    %get3A_262 = tpu.vector_load %arg7[%get3A_260, %get3A_261] {strides = array<i32>} : memref<32x128xf32, #tpu.memory_space<vmem>>, vector<1x16xf32>,
    %get3A_263 = vector.shape_cast %get3A_262 : vector<1x16xf32> to vector<16xf32>
    %add3A_264 = arith.addf %add3A_258, %get3A_263 : vector<16xf32>
    %get3A_265 = arith.constant 6 : i32
    %get3A_266 = arith.index_cast %get3A_265 : i32 to index
    %get3A_267 = arith.constant 32 : index
    %get3A_268 = tpu.vector_load %arg7[%get3A_266, %get3A_267] {strides = array<i32>} : memref<32x128xf32, #tpu.memory_space<vmem>>, vector<1x16xf32>,
    %get3A_269 = vector.shape_cast %get3A_268 : vector<1x16xf32> to vector<16xf32>
    %add3A_270 = arith.addf %add3A_264, %get3A_269 : vector<16xf32>
    %get3A_271 = arith.constant 7 : i32
    %get3A_272 = arith.index_cast %get3A_271 : i32 to index
    %get3A_273 = arith.constant 32 : index
    %get3A_274 = tpu.vector_load %arg7[%get3A_272, %get3A_273] {strides = array<i32>} : memref<32x128xf32, #tpu.memory_space<vmem>>, vector<1x16xf32>,
    %get3A_275 = vector.shape_cast %get3A_274 : vector<1x16xf32> to vector<16xf32>
    %add3A_276 = arith.addf %add3A_270, %get3A_275 : vector<16xf32>
    %get3A_277 = arith.constant 8 : i32
    %get3A_278 = arith.index_cast %get3A_277 : i32 to index
    %get3A_279 = arith.constant 32 : index
    %get3A_280 = tpu.vector_load %arg7[%get3A_278, %get3A_279] {strides = array<i32>} : memref<32x128xf32, #tpu.memory_space<vmem>>, vector<1x16xf32>,
    %get3A_281 = vector.shape_cast %get3A_280 : vector<1x16xf32> to vector<16xf32>
    %add3A_282 = arith.addf %add3A_276, %get3A_281 : vector<16xf32>
    %get3A_283 = arith.constant 9 : i32
    %get3A_284 = arith.index_cast %get3A_283 : i32 to index
    %get3A_285 = arith.constant 32 : index
    %get3A_286 = tpu.vector_load %arg7[%get3A_284, %get3A_285] {strides = array<i32>} : memref<32x128xf32, #tpu.memory_space<vmem>>, vector<1x16xf32>,
    %get3A_287 = vector.shape_cast %get3A_286 : vector<1x16xf32> to vector<16xf32>
    %add3A_288 = arith.addf %add3A_282, %get3A_287 : vector<16xf32>
    %get3A_289 = arith.constant 10 : i32
    %get3A_290 = arith.index_cast %get3A_289 : i32 to index
    %get3A_291 = arith.constant 32 : index
    %get3A_292 = tpu.vector_load %arg7[%get3A_290, %get3A_291] {strides = array<i32>} : memref<32x128xf32, #tpu.memory_space<vmem>>, vector<1x16xf32>,
    %get3A_293 = vector.shape_cast %get3A_292 : vector<1x16xf32> to vector<16xf32>
    %add3A_294 = arith.addf %add3A_288, %get3A_293 : vector<16xf32>
    %get3A_295 = arith.constant 11 : i32
    %get3A_296 = arith.index_cast %get3A_295 : i32 to index
    %get3A_297 = arith.constant 32 : index
    %get3A_298 = tpu.vector_load %arg7[%get3A_296, %get3A_297] {strides = array<i32>} : memref<32x128xf32, #tpu.memory_space<vmem>>, vector<1x16xf32>,
    %get3A_299 = vector.shape_cast %get3A_298 : vector<1x16xf32> to vector<16xf32>
    %add3A_300 = arith.addf %add3A_294, %get3A_299 : vector<16xf32>
    %get3A_301 = arith.constant 12 : i32
    %get3A_302 = arith.index_cast %get3A_301 : i32 to index
    %get3A_303 = arith.constant 32 : index
    %get3A_304 = tpu.vector_load %arg7[%get3A_302, %get3A_303] {strides = array<i32>} : memref<32x128xf32, #tpu.memory_space<vmem>>, vector<1x16xf32>,
    %get3A_305 = vector.shape_cast %get3A_304 : vector<1x16xf32> to vector<16xf32>
    %add3A_306 = arith.addf %add3A_300, %get3A_305 : vector<16xf32>
    %get3A_307 = arith.constant 13 : i32
    %get3A_308 = arith.index_cast %get3A_307 : i32 to index
    %get3A_309 = arith.constant 32 : index
    %get3A_310 = tpu.vector_load %arg7[%get3A_308, %get3A_309] {strides = array<i32>} : memref<32x128xf32, #tpu.memory_space<vmem>>, vector<1x16xf32>,
    %get3A_311 = vector.shape_cast %get3A_310 : vector<1x16xf32> to vector<16xf32>
    %add3A_312 = arith.addf %add3A_306, %get3A_311 : vector<16xf32>
    %get3A_313 = arith.constant 14 : i32
    %get3A_314 = arith.index_cast %get3A_313 : i32 to index
    %get3A_315 = arith.constant 32 : index
    %get3A_316 = tpu.vector_load %arg7[%get3A_314, %get3A_315] {strides = array<i32>} : memref<32x128xf32, #tpu.memory_space<vmem>>, vector<1x16xf32>,
    %get3A_317 = vector.shape_cast %get3A_316 : vector<1x16xf32> to vector<16xf32>
    %add3A_318 = arith.addf %add3A_312, %get3A_317 : vector<16xf32>
    %get3A_319 = arith.constant 15 : i32
    %get3A_320 = arith.index_cast %get3A_319 : i32 to index
    %get3A_321 = arith.constant 32 : index
    %get3A_322 = tpu.vector_load %arg7[%get3A_320, %get3A_321] {strides = array<i32>} : memref<32x128xf32, #tpu.memory_space<vmem>>, vector<1x16xf32>,
    %get3A_323 = vector.shape_cast %get3A_322 : vector<1x16xf32> to vector<16xf32>
    %add3A_324 = arith.addf %add3A_318, %get3A_323 : vector<16xf32>
    %swap3A_325 = arith.constant 0 : i32
    %swap3A_326 = arith.index_cast %swap3A_325 : i32 to index
    %swap3A_327 = arith.constant 32 : index
    %swap3A_328 = tpu.vector_load %arg8[%swap3A_326, %swap3A_327] {strides = array<i32>} : memref<2x128xf32, #tpu.memory_space<vmem>>, vector<1x16xf32>,
    %swap3A_329 = vector.shape_cast %swap3A_328 : vector<1x16xf32> to vector<16xf32>
    %swap3A_330 = vector.shape_cast %add3A_324 : vector<16xf32> to vector<1x16xf32>
    tpu.vector_store %arg8[%swap3A_326, %swap3A_327], %swap3A_330 {strides = array<i32>} : memref<2x128xf32, #tpu.memory_space<vmem>>, vector<1x16xf32>,
    %get3A_331 = arith.constant 0 : i32
    %get3A_332 = arith.index_cast %get3A_331 : i32 to index
    %get3A_333 = arith.constant 48 : index
    %get3A_334 = tpu.vector_load %arg7[%get3A_332, %get3A_333] {strides = array<i32>} : memref<32x128xf32, #tpu.memory_space<vmem>>, vector<1x16xf32>,
    %get3A_335 = vector.shape_cast %get3A_334 : vector<1x16xf32> to vector<16xf32>
    %get3A_336 = arith.constant 1 : i32
    %get3A_337 = arith.index_cast %get3A_336 : i32 to index
    %get3A_338 = arith.constant 48 : index
    %get3A_339 = tpu.vector_load %arg7[%get3A_337, %get3A_338] {strides = array<i32>} : memref<32x128xf32, #tpu.memory_space<vmem>>, vector<1x16xf32>,
    %get3A_340 = vector.shape_cast %get3A_339 : vector<1x16xf32> to vector<16xf32>
    %add3A_341 = arith.addf %get3A_335, %get3A_340 : vector<16xf32>
    %get3A_342 = arith.constant 2 : i32
    %get3A_343 = arith.index_cast %get3A_342 : i32 to index
    %get3A_344 = arith.constant 48 : index
    %get3A_345 = tpu.vector_load %arg7[%get3A_343, %get3A_344] {strides = array<i32>} : memref<32x128xf32, #tpu.memory_space<vmem>>, vector<1x16xf32>,
    %get3A_346 = vector.shape_cast %get3A_345 : vector<1x16xf32> to vector<16xf32>
    %add3A_347 = arith.addf %add3A_341, %get3A_346 : vector<16xf32>
    %get3A_348 = arith.constant 3 : i32
    %get3A_349 = arith.index_cast %get3A_348 : i32 to index
    %get3A_350 = arith.constant 48 : index
    %get3A_351 = tpu.vector_load %arg7[%get3A_349, %get3A_350] {strides = array<i32>} : memref<32x128xf32, #tpu.memory_space<vmem>>, vector<1x16xf32>,
    %get3A_352 = vector.shape_cast %get3A_351 : vector<1x16xf32> to vector<16xf32>
    %add3A_353 = arith.addf %add3A_347, %get3A_352 : vector<16xf32>
    %get3A_354 = arith.constant 4 : i32
    %get3A_355 = arith.index_cast %get3A_354 : i32 to index
    %get3A_356 = arith.constant 48 : index
    %get3A_357 = tpu.vector_load %arg7[%get3A_355, %get3A_356] {strides = array<i32>} : memref<32x128xf32, #tpu.memory_space<vmem>>, vector<1x16xf32>,
    %get3A_358 = vector.shape_cast %get3A_357 : vector<1x16xf32> to vector<16xf32>
    %add3A_359 = arith.addf %add3A_353, %get3A_358 : vector<16xf32>
    %get3A_360 = arith.constant 5 : i32
    %get3A_361 = arith.index_cast %get3A_360 : i32 to index
    %get3A_362 = arith.constant 48 : index
    %get3A_363 = tpu.vector_load %arg7[%get3A_361, %get3A_362] {strides = array<i32>} : memref<32x128xf32, #tpu.memory_space<vmem>>, vector<1x16xf32>,
    %get3A_364 = vector.shape_cast %get3A_363 : vector<1x16xf32> to vector<16xf32>
    %add3A_365 = arith.addf %add3A_359, %get3A_364 : vector<16xf32>
    %get3A_366 = arith.constant 6 : i32
    %get3A_367 = arith.index_cast %get3A_366 : i32 to index
    %get3A_368 = arith.constant 48 : index
    %get3A_369 = tpu.vector_load %arg7[%get3A_367, %get3A_368] {strides = array<i32>} : memref<32x128xf32, #tpu.memory_space<vmem>>, vector<1x16xf32>,
    %get3A_370 = vector.shape_cast %get3A_369 : vector<1x16xf32> to vector<16xf32>
    %add3A_371 = arith.addf %add3A_365, %get3A_370 : vector<16xf32>
    %get3A_372 = arith.constant 7 : i32
    %get3A_373 = arith.index_cast %get3A_372 : i32 to index
    %get3A_374 = arith.constant 48 : index
    %get3A_375 = tpu.vector_load %arg7[%get3A_373, %get3A_374] {strides = array<i32>} : memref<32x128xf32, #tpu.memory_space<vmem>>, vector<1x16xf32>,
    %get3A_376 = vector.shape_cast %get3A_375 : vector<1x16xf32> to vector<16xf32>
    %add3A_377 = arith.addf %add3A_371, %get3A_376 : vector<16xf32>
    %get3A_378 = arith.constant 8 : i32
    %get3A_379 = arith.index_cast %get3A_378 : i32 to index
    %get3A_380 = arith.constant 48 : index
    %get3A_381 = tpu.vector_load %arg7[%get3A_379, %get3A_380] {strides = array<i32>} : memref<32x128xf32, #tpu.memory_space<vmem>>, vector<1x16xf32>,
    %get3A_382 = vector.shape_cast %get3A_381 : vector<1x16xf32> to vector<16xf32>
    %add3A_383 = arith.addf %add3A_377, %get3A_382 : vector<16xf32>
    %get3A_384 = arith.constant 9 : i32
    %get3A_385 = arith.index_cast %get3A_384 : i32 to index
    %get3A_386 = arith.constant 48 : index
    %get3A_387 = tpu.vector_load %arg7[%get3A_385, %get3A_386] {strides = array<i32>} : memref<32x128xf32, #tpu.memory_space<vmem>>, vector<1x16xf32>,
    %get3A_388 = vector.shape_cast %get3A_387 : vector<1x16xf32> to vector<16xf32>
    %add3A_389 = arith.addf %add3A_383, %get3A_388 : vector<16xf32>
    %get3A_390 = arith.constant 10 : i32
    %get3A_391 = arith.index_cast %get3A_390 : i32 to index
    %get3A_392 = arith.constant 48 : index
    %get3A_393 = tpu.vector_load %arg7[%get3A_391, %get3A_392] {strides = array<i32>} : memref<32x128xf32, #tpu.memory_space<vmem>>, vector<1x16xf32>,
    %get3A_394 = vector.shape_cast %get3A_393 : vector<1x16xf32> to vector<16xf32>
    %add3A_395 = arith.addf %add3A_389, %get3A_394 : vector<16xf32>
    %get3A_396 = arith.constant 11 : i32
    %get3A_397 = arith.index_cast %get3A_396 : i32 to index
    %get3A_398 = arith.constant 48 : index
    %get3A_399 = tpu.vector_load %arg7[%get3A_397, %get3A_398] {strides = array<i32>} : memref<32x128xf32, #tpu.memory_space<vmem>>, vector<1x16xf32>,
    %get3A_400 = vector.shape_cast %get3A_399 : vector<1x16xf32> to vector<16xf32>
    %add3A_401 = arith.addf %add3A_395, %get3A_400 : vector<16xf32>
    %get3A_402 = arith.constant 12 : i32
    %get3A_403 = arith.index_cast %get3A_402 : i32 to index
    %get3A_404 = arith.constant 48 : index
    %get3A_405 = tpu.vector_load %arg7[%get3A_403, %get3A_404] {strides = array<i32>} : memref<32x128xf32, #tpu.memory_space<vmem>>, vector<1x16xf32>,
    %get3A_406 = vector.shape_cast %get3A_405 : vector<1x16xf32> to vector<16xf32>
    %add3A_407 = arith.addf %add3A_401, %get3A_406 : vector<16xf32>
    %get3A_408 = arith.constant 13 : i32
    %get3A_409 = arith.index_cast %get3A_408 : i32 to index
    %get3A_410 = arith.constant 48 : index
    %get3A_411 = tpu.vector_load %arg7[%get3A_409, %get3A_410] {strides = array<i32>} : memref<32x128xf32, #tpu.memory_space<vmem>>, vector<1x16xf32>,
    %get3A_412 = vector.shape_cast %get3A_411 : vector<1x16xf32> to vector<16xf32>
    %add3A_413 = arith.addf %add3A_407, %get3A_412 : vector<16xf32>
    %get3A_414 = arith.constant 14 : i32
    %get3A_415 = arith.index_cast %get3A_414 : i32 to index
    %get3A_416 = arith.constant 48 : index
    %get3A_417 = tpu.vector_load %arg7[%get3A_415, %get3A_416] {strides = array<i32>} : memref<32x128xf32, #tpu.memory_space<vmem>>, vector<1x16xf32>,
    %get3A_418 = vector.shape_cast %get3A_417 : vector<1x16xf32> to vector<16xf32>
    %add3A_419 = arith.addf %add3A_413, %get3A_418 : vector<16xf32>
    %get3A_420 = arith.constant 15 : i32
    %get3A_421 = arith.index_cast %get3A_420 : i32 to index
    %get3A_422 = arith.constant 48 : index
    %get3A_423 = tpu.vector_load %arg7[%get3A_421, %get3A_422] {strides = array<i32>} : memref<32x128xf32, #tpu.memory_space<vmem>>, vector<1x16xf32>,
    %get3A_424 = vector.shape_cast %get3A_423 : vector<1x16xf32> to vector<16xf32>
    %add3A_425 = arith.addf %add3A_419, %get3A_424 : vector<16xf32>
    %swap3A_426 = arith.constant 0 : i32
    %swap3A_427 = arith.index_cast %swap3A_426 : i32 to index
    %swap3A_428 = arith.constant 48 : index
    %swap3A_429 = tpu.vector_load %arg8[%swap3A_427, %swap3A_428] {strides = array<i32>} : memref<2x128xf32, #tpu.memory_space<vmem>>, vector<1x16xf32>,
    %swap3A_430 = vector.shape_cast %swap3A_429 : vector<1x16xf32> to vector<16xf32>
    %swap3A_431 = vector.shape_cast %add3A_425 : vector<16xf32> to vector<1x16xf32>
    tpu.vector_store %arg8[%swap3A_427, %swap3A_428], %swap3A_431 {strides = array<i32>} : memref<2x128xf32, #tpu.memory_space<vmem>>, vector<1x16xf32>,
    %get3A_432 = arith.constant 0 : i32
    %get3A_433 = arith.index_cast %get3A_432 : i32 to index
    %get3A_434 = arith.constant 64 : index
    %get3A_435 = tpu.vector_load %arg7[%get3A_433, %get3A_434] {strides = array<i32>} : memref<32x128xf32, #tpu.memory_space<vmem>>, vector<1x16xf32>,
    %get3A_436 = vector.shape_cast %get3A_435 : vector<1x16xf32> to vector<16xf32>
    %get3A_437 = arith.constant 1 : i32
    %get3A_438 = arith.index_cast %get3A_437 : i32 to index
    %get3A_439 = arith.constant 64 : index
    %get3A_440 = tpu.vector_load %arg7[%get3A_438, %get3A_439] {strides = array<i32>} : memref<32x128xf32, #tpu.memory_space<vmem>>, vector<1x16xf32>,
    %get3A_441 = vector.shape_cast %get3A_440 : vector<1x16xf32> to vector<16xf32>
    %add3A_442 = arith.addf %get3A_436, %get3A_441 : vector<16xf32>
    %get3A_443 = arith.constant 2 : i32
    %get3A_444 = arith.index_cast %get3A_443 : i32 to index
    %get3A_445 = arith.constant 64 : index
    %get3A_446 = tpu.vector_load %arg7[%get3A_444, %get3A_445] {strides = array<i32>} : memref<32x128xf32, #tpu.memory_space<vmem>>, vector<1x16xf32>,
    %get3A_447 = vector.shape_cast %get3A_446 : vector<1x16xf32> to vector<16xf32>
    %add3A_448 = arith.addf %add3A_442, %get3A_447 : vector<16xf32>
    %get3A_449 = arith.constant 3 : i32
    %get3A_450 = arith.index_cast %get3A_449 : i32 to index
    %get3A_451 = arith.constant 64 : index
    %get3A_452 = tpu.vector_load %arg7[%get3A_450, %get3A_451] {strides = array<i32>} : memref<32x128xf32, #tpu.memory_space<vmem>>, vector<1x16xf32>,
    %get3A_453 = vector.shape_cast %get3A_452 : vector<1x16xf32> to vector<16xf32>
    %add3A_454 = arith.addf %add3A_448, %get3A_453 : vector<16xf32>
    %get3A_455 = arith.constant 4 : i32
    %get3A_456 = arith.index_cast %get3A_455 : i32 to index
    %get3A_457 = arith.constant 64 : index
    %get3A_458 = tpu.vector_load %arg7[%get3A_456, %get3A_457] {strides = array<i32>} : memref<32x128xf32, #tpu.memory_space<vmem>>, vector<1x16xf32>,
    %get3A_459 = vector.shape_cast %get3A_458 : vector<1x16xf32> to vector<16xf32>
    %add3A_460 = arith.addf %add3A_454, %get3A_459 : vector<16xf32>
    %get3A_461 = arith.constant 5 : i32
    %get3A_462 = arith.index_cast %get3A_461 : i32 to index
    %get3A_463 = arith.constant 64 : index
    %get3A_464 = tpu.vector_load %arg7[%get3A_462, %get3A_463] {strides = array<i32>} : memref<32x128xf32, #tpu.memory_space<vmem>>, vector<1x16xf32>,
    %get3A_465 = vector.shape_cast %get3A_464 : vector<1x16xf32> to vector<16xf32>
    %add3A_466 = arith.addf %add3A_460, %get3A_465 : vector<16xf32>
    %get3A_467 = arith.constant 6 : i32
    %get3A_468 = arith.index_cast %get3A_467 : i32 to index
    %get3A_469 = arith.constant 64 : index
    %get3A_470 = tpu.vector_load %arg7[%get3A_468, %get3A_469] {strides = array<i32>} : memref<32x128xf32, #tpu.memory_space<vmem>>, vector<1x16xf32>,
    %get3A_471 = vector.shape_cast %get3A_470 : vector<1x16xf32> to vector<16xf32>
    %add3A_472 = arith.addf %add3A_466, %get3A_471 : vector<16xf32>
    %get3A_473 = arith.constant 7 : i32
    %get3A_474 = arith.index_cast %get3A_473 : i32 to index
    %get3A_475 = arith.constant 64 : index
    %get3A_476 = tpu.vector_load %arg7[%get3A_474, %get3A_475] {strides = array<i32>} : memref<32x128xf32, #tpu.memory_space<vmem>>, vector<1x16xf32>,
    %get3A_477 = vector.shape_cast %get3A_476 : vector<1x16xf32> to vector<16xf32>
    %add3A_478 = arith.addf %add3A_472, %get3A_477 : vector<16xf32>
    %get3A_479 = arith.constant 8 : i32
    %get3A_480 = arith.index_cast %get3A_479 : i32 to index
    %get3A_481 = arith.constant 64 : index
    %get3A_482 = tpu.vector_load %arg7[%get3A_480, %get3A_481] {strides = array<i32>} : memref<32x128xf32, #tpu.memory_space<vmem>>, vector<1x16xf32>,
    %get3A_483 = vector.shape_cast %get3A_482 : vector<1x16xf32> to vector<16xf32>
    %add3A_484 = arith.addf %add3A_478, %get3A_483 : vector<16xf32>
    %get3A_485 = arith.constant 9 : i32
    %get3A_486 = arith.index_cast %get3A_485 : i32 to index
    %get3A_487 = arith.constant 64 : index
    %get3A_488 = tpu.vector_load %arg7[%get3A_486, %get3A_487] {strides = array<i32>} : memref<32x128xf32, #tpu.memory_space<vmem>>, vector<1x16xf32>,
    %get3A_489 = vector.shape_cast %get3A_488 : vector<1x16xf32> to vector<16xf32>
    %add3A_490 = arith.addf %add3A_484, %get3A_489 : vector<16xf32>
    %get3A_491 = arith.constant 10 : i32
    %get3A_492 = arith.index_cast %get3A_491 : i32 to index
    %get3A_493 = arith.constant 64 : index
    %get3A_494 = tpu.vector_load %arg7[%get3A_492, %get3A_493] {strides = array<i32>} : memref<32x128xf32, #tpu.memory_space<vmem>>, vector<1x16xf32>,
    %get3A_495 = vector.shape_cast %get3A_494 : vector<1x16xf32> to vector<16xf32>
    %add3A_496 = arith.addf %add3A_490, %get3A_495 : vector<16xf32>
    %get3A_497 = arith.constant 11 : i32
    %get3A_498 = arith.index_cast %get3A_497 : i32 to index
    %get3A_499 = arith.constant 64 : index
    %get3A_500 = tpu.vector_load %arg7[%get3A_498, %get3A_499] {strides = array<i32>} : memref<32x128xf32, #tpu.memory_space<vmem>>, vector<1x16xf32>,
    %get3A_501 = vector.shape_cast %get3A_500 : vector<1x16xf32> to vector<16xf32>
    %add3A_502 = arith.addf %add3A_496, %get3A_501 : vector<16xf32>
    %get3A_503 = arith.constant 12 : i32
    %get3A_504 = arith.index_cast %get3A_503 : i32 to index
    %get3A_505 = arith.constant 64 : index
    %get3A_506 = tpu.vector_load %arg7[%get3A_504, %get3A_505] {strides = array<i32>} : memref<32x128xf32, #tpu.memory_space<vmem>>, vector<1x16xf32>,
    %get3A_507 = vector.shape_cast %get3A_506 : vector<1x16xf32> to vector<16xf32>
    %add3A_508 = arith.addf %add3A_502, %get3A_507 : vector<16xf32>
    %get3A_509 = arith.constant 13 : i32
    %get3A_510 = arith.index_cast %get3A_509 : i32 to index
    %get3A_511 = arith.constant 64 : index
    %get3A_512 = tpu.vector_load %arg7[%get3A_510, %get3A_511] {strides = array<i32>} : memref<32x128xf32, #tpu.memory_space<vmem>>, vector<1x16xf32>,
    %get3A_513 = vector.shape_cast %get3A_512 : vector<1x16xf32> to vector<16xf32>
    %add3A_514 = arith.addf %add3A_508, %get3A_513 : vector<16xf32>
    %get3A_515 = arith.constant 14 : i32
    %get3A_516 = arith.index_cast %get3A_515 : i32 to index
    %get3A_517 = arith.constant 64 : index
    %get3A_518 = tpu.vector_load %arg7[%get3A_516, %get3A_517] {strides = array<i32>} : memref<32x128xf32, #tpu.memory_space<vmem>>, vector<1x16xf32>,
    %get3A_519 = vector.shape_cast %get3A_518 : vector<1x16xf32> to vector<16xf32>
    %add3A_520 = arith.addf %add3A_514, %get3A_519 : vector<16xf32>
    %get3A_521 = arith.constant 15 : i32
    %get3A_522 = arith.index_cast %get3A_521 : i32 to index
    %get3A_523 = arith.constant 64 : index
    %get3A_524 = tpu.vector_load %arg7[%get3A_522, %get3A_523] {strides = array<i32>} : memref<32x128xf32, #tpu.memory_space<vmem>>, vector<1x16xf32>,
    %get3A_525 = vector.shape_cast %get3A_524 : vector<1x16xf32> to vector<16xf32>
    %add3A_526 = arith.addf %add3A_520, %get3A_525 : vector<16xf32>
    %swap3A_527 = arith.constant 0 : i32
    %swap3A_528 = arith.index_cast %swap3A_527 : i32 to index
    %swap3A_529 = arith.constant 64 : index
    %swap3A_530 = tpu.vector_load %arg8[%swap3A_528, %swap3A_529] {strides = array<i32>} : memref<2x128xf32, #tpu.memory_space<vmem>>, vector<1x16xf32>,
    %swap3A_531 = vector.shape_cast %swap3A_530 : vector<1x16xf32> to vector<16xf32>
    %swap3A_532 = vector.shape_cast %add3A_526 : vector<16xf32> to vector<1x16xf32>
    tpu.vector_store %arg8[%swap3A_528, %swap3A_529], %swap3A_532 {strides = array<i32>} : memref<2x128xf32, #tpu.memory_space<vmem>>, vector<1x16xf32>,
    %get3A_533 = arith.constant 0 : i32
    %get3A_534 = arith.index_cast %get3A_533 : i32 to index
    %get3A_535 = arith.constant 80 : index
    %get3A_536 = tpu.vector_load %arg7[%get3A_534, %get3A_535] {strides = array<i32>} : memref<32x128xf32, #tpu.memory_space<vmem>>, vector<1x16xf32>,
    %get3A_537 = vector.shape_cast %get3A_536 : vector<1x16xf32> to vector<16xf32>
    %get3A_538 = arith.constant 1 : i32
    %get3A_539 = arith.index_cast %get3A_538 : i32 to index
    %get3A_540 = arith.constant 80 : index
    %get3A_541 = tpu.vector_load %arg7[%get3A_539, %get3A_540] {strides = array<i32>} : memref<32x128xf32, #tpu.memory_space<vmem>>, vector<1x16xf32>,
    %get3A_542 = vector.shape_cast %get3A_541 : vector<1x16xf32> to vector<16xf32>
    %add3A_543 = arith.addf %get3A_537, %get3A_542 : vector<16xf32>
    %get3A_544 = arith.constant 2 : i32
    %get3A_545 = arith.index_cast %get3A_544 : i32 to index
    %get3A_546 = arith.constant 80 : index
    %get3A_547 = tpu.vector_load %arg7[%get3A_545, %get3A_546] {strides = array<i32>} : memref<32x128xf32, #tpu.memory_space<vmem>>, vector<1x16xf32>,
    %get3A_548 = vector.shape_cast %get3A_547 : vector<1x16xf32> to vector<16xf32>
    %add3A_549 = arith.addf %add3A_543, %get3A_548 : vector<16xf32>
    %get3A_550 = arith.constant 3 : i32
    %get3A_551 = arith.index_cast %get3A_550 : i32 to index
    %get3A_552 = arith.constant 80 : index
    %get3A_553 = tpu.vector_load %arg7[%get3A_551, %get3A_552] {strides = array<i32>} : memref<32x128xf32, #tpu.memory_space<vmem>>, vector<1x16xf32>,
    %get3A_554 = vector.shape_cast %get3A_553 : vector<1x16xf32> to vector<16xf32>
    %add3A_555 = arith.addf %add3A_549, %get3A_554 : vector<16xf32>
    %get3A_556 = arith.constant 4 : i32
    %get3A_557 = arith.index_cast %get3A_556 : i32 to index
    %get3A_558 = arith.constant 80 : index
    %get3A_559 = tpu.vector_load %arg7[%get3A_557, %get3A_558] {strides = array<i32>} : memref<32x128xf32, #tpu.memory_space<vmem>>, vector<1x16xf32>,
    %get3A_560 = vector.shape_cast %get3A_559 : vector<1x16xf32> to vector<16xf32>
    %add3A_561 = arith.addf %add3A_555, %get3A_560 : vector<16xf32>
    %get3A_562 = arith.constant 5 : i32
    %get3A_563 = arith.index_cast %get3A_562 : i32 to index
    %get3A_564 = arith.constant 80 : index
    %get3A_565 = tpu.vector_load %arg7[%get3A_563, %get3A_564] {strides = array<i32>} : memref<32x128xf32, #tpu.memory_space<vmem>>, vector<1x16xf32>,
    %get3A_566 = vector.shape_cast %get3A_565 : vector<1x16xf32> to vector<16xf32>
    %add3A_567 = arith.addf %add3A_561, %get3A_566 : vector<16xf32>
    %get3A_568 = arith.constant 6 : i32
    %get3A_569 = arith.index_cast %get3A_568 : i32 to index
    %get3A_570 = arith.constant 80 : index
    %get3A_571 = tpu.vector_load %arg7[%get3A_569, %get3A_570] {strides = array<i32>} : memref<32x128xf32, #tpu.memory_space<vmem>>, vector<1x16xf32>,
    %get3A_572 = vector.shape_cast %get3A_571 : vector<1x16xf32> to vector<16xf32>
    %add3A_573 = arith.addf %add3A_567, %get3A_572 : vector<16xf32>
    %get3A_574 = arith.constant 7 : i32
    %get3A_575 = arith.index_cast %get3A_574 : i32 to index
    %get3A_576 = arith.constant 80 : index
    %get3A_577 = tpu.vector_load %arg7[%get3A_575, %get3A_576] {strides = array<i32>} : memref<32x128xf32, #tpu.memory_space<vmem>>, vector<1x16xf32>,
    %get3A_578 = vector.shape_cast %get3A_577 : vector<1x16xf32> to vector<16xf32>
    %add3A_579 = arith.addf %add3A_573, %get3A_578 : vector<16xf32>
    %get3A_580 = arith.constant 8 : i32
    %get3A_581 = arith.index_cast %get3A_580 : i32 to index
    %get3A_582 = arith.constant 80 : index
    %get3A_583 = tpu.vector_load %arg7[%get3A_581, %get3A_582] {strides = array<i32>} : memref<32x128xf32, #tpu.memory_space<vmem>>, vector<1x16xf32>,
    %get3A_584 = vector.shape_cast %get3A_583 : vector<1x16xf32> to vector<16xf32>
    %add3A_585 = arith.addf %add3A_579, %get3A_584 : vector<16xf32>
    %get3A_586 = arith.constant 9 : i32
    %get3A_587 = arith.index_cast %get3A_586 : i32 to index
    %get3A_588 = arith.constant 80 : index
    %get3A_589 = tpu.vector_load %arg7[%get3A_587, %get3A_588] {strides = array<i32>} : memref<32x128xf32, #tpu.memory_space<vmem>>, vector<1x16xf32>,
    %get3A_590 = vector.shape_cast %get3A_589 : vector<1x16xf32> to vector<16xf32>
    %add3A_591 = arith.addf %add3A_585, %get3A_590 : vector<16xf32>
    %get3A_592 = arith.constant 10 : i32
    %get3A_593 = arith.index_cast %get3A_592 : i32 to index
    %get3A_594 = arith.constant 80 : index
    %get3A_595 = tpu.vector_load %arg7[%get3A_593, %get3A_594] {strides = array<i32>} : memref<32x128xf32, #tpu.memory_space<vmem>>, vector<1x16xf32>,
    %get3A_596 = vector.shape_cast %get3A_595 : vector<1x16xf32> to vector<16xf32>
    %add3A_597 = arith.addf %add3A_591, %get3A_596 : vector<16xf32>
    %get3A_598 = arith.constant 11 : i32
    %get3A_599 = arith.index_cast %get3A_598 : i32 to index
    %get3A_600 = arith.constant 80 : index
    %get3A_601 = tpu.vector_load %arg7[%get3A_599, %get3A_600] {strides = array<i32>} : memref<32x128xf32, #tpu.memory_space<vmem>>, vector<1x16xf32>,
    %get3A_602 = vector.shape_cast %get3A_601 : vector<1x16xf32> to vector<16xf32>
    %add3A_603 = arith.addf %add3A_597, %get3A_602 : vector<16xf32>
    %get3A_604 = arith.constant 12 : i32
    %get3A_605 = arith.index_cast %get3A_604 : i32 to index
    %get3A_606 = arith.constant 80 : index
    %get3A_607 = tpu.vector_load %arg7[%get3A_605, %get3A_606] {strides = array<i32>} : memref<32x128xf32, #tpu.memory_space<vmem>>, vector<1x16xf32>,
    %get3A_608 = vector.shape_cast %get3A_607 : vector<1x16xf32> to vector<16xf32>
    %add3A_609 = arith.addf %add3A_603, %get3A_608 : vector<16xf32>
    %get3A_610 = arith.constant 13 : i32
    %get3A_611 = arith.index_cast %get3A_610 : i32 to index
    %get3A_612 = arith.constant 80 : index
    %get3A_613 = tpu.vector_load %arg7[%get3A_611, %get3A_612] {strides = array<i32>} : memref<32x128xf32, #tpu.memory_space<vmem>>, vector<1x16xf32>,
    %get3A_614 = vector.shape_cast %get3A_613 : vector<1x16xf32> to vector<16xf32>
    %add3A_615 = arith.addf %add3A_609, %get3A_614 : vector<16xf32>
    %get3A_616 = arith.constant 14 : i32
    %get3A_617 = arith.index_cast %get3A_616 : i32 to index
    %get3A_618 = arith.constant 80 : index
    %get3A_619 = tpu.vector_load %arg7[%get3A_617, %get3A_618] {strides = array<i32>} : memref<32x128xf32, #tpu.memory_space<vmem>>, vector<1x16xf32>,
    %get3A_620 = vector.shape_cast %get3A_619 : vector<1x16xf32> to vector<16xf32>
    %add3A_621 = arith.addf %add3A_615, %get3A_620 : vector<16xf32>
    %get3A_622 = arith.constant 15 : i32
    %get3A_623 = arith.index_cast %get3A_622 : i32 to index
    %get3A_624 = arith.constant 80 : index
    %get3A_625 = tpu.vector_load %arg7[%get3A_623, %get3A_624] {strides = array<i32>} : memref<32x128xf32, #tpu.memory_space<vmem>>, vector<1x16xf32>,
    %get3A_626 = vector.shape_cast %get3A_625 : vector<1x16xf32> to vector<16xf32>
    %add3A_627 = arith.addf %add3A_621, %get3A_626 : vector<16xf32>
    %swap3A_628 = arith.constant 0 : i32
    %swap3A_629 = arith.index_cast %swap3A_628 : i32 to index
    %swap3A_630 = arith.constant 80 : index
    %swap3A_631 = tpu.vector_load %arg8[%swap3A_629, %swap3A_630] {strides = array<i32>} : memref<2x128xf32, #tpu.memory_space<vmem>>, vector<1x16xf32>,
    %swap3A_632 = vector.shape_cast %swap3A_631 : vector<1x16xf32> to vector<16xf32>
    %swap3A_633 = vector.shape_cast %add3A_627 : vector<16xf32> to vector<1x16xf32>
    tpu.vector_store %arg8[%swap3A_629, %swap3A_630], %swap3A_633 {strides = array<i32>} : memref<2x128xf32, #tpu.memory_space<vmem>>, vector<1x16xf32>,
    %get3A_634 = arith.constant 0 : i32
    %get3A_635 = arith.index_cast %get3A_634 : i32 to index
    %get3A_636 = arith.constant 96 : index
    %get3A_637 = tpu.vector_load %arg7[%get3A_635, %get3A_636] {strides = array<i32>} : memref<32x128xf32, #tpu.memory_space<vmem>>, vector<1x16xf32>,
    %get3A_638 = vector.shape_cast %get3A_637 : vector<1x16xf32> to vector<16xf32>
    %get3A_639 = arith.constant 1 : i32
    %get3A_640 = arith.index_cast %get3A_639 : i32 to index
    %get3A_641 = arith.constant 96 : index
    %get3A_642 = tpu.vector_load %arg7[%get3A_640, %get3A_641] {strides = array<i32>} : memref<32x128xf32, #tpu.memory_space<vmem>>, vector<1x16xf32>,
    %get3A_643 = vector.shape_cast %get3A_642 : vector<1x16xf32> to vector<16xf32>
    %add3A_644 = arith.addf %get3A_638, %get3A_643 : vector<16xf32>
    %get3A_645 = arith.constant 2 : i32
    %get3A_646 = arith.index_cast %get3A_645 : i32 to index
    %get3A_647 = arith.constant 96 : index
    %get3A_648 = tpu.vector_load %arg7[%get3A_646, %get3A_647] {strides = array<i32>} : memref<32x128xf32, #tpu.memory_space<vmem>>, vector<1x16xf32>,
    %get3A_649 = vector.shape_cast %get3A_648 : vector<1x16xf32> to vector<16xf32>
    %add3A_650 = arith.addf %add3A_644, %get3A_649 : vector<16xf32>
    %get3A_651 = arith.constant 3 : i32
    %get3A_652 = arith.index_cast %get3A_651 : i32 to index
    %get3A_653 = arith.constant 96 : index
    %get3A_654 = tpu.vector_load %arg7[%get3A_652, %get3A_653] {strides = array<i32>} : memref<32x128xf32, #tpu.memory_space<vmem>>, vector<1x16xf32>,
    %get3A_655 = vector.shape_cast %get3A_654 : vector<1x16xf32> to vector<16xf32>
    %add3A_656 = arith.addf %add3A_650, %get3A_655 : vector<16xf32>
    %get3A_657 = arith.constant 4 : i32
    %get3A_658 = arith.index_cast %get3A_657 : i32 to index
    %get3A_659 = arith.constant 96 : index
    %get3A_660 = tpu.vector_load %arg7[%get3A_658, %get3A_659] {strides = array<i32>} : memref<32x128xf32, #tpu.memory_space<vmem>>, vector<1x16xf32>,
    %get3A_661 = vector.shape_cast %get3A_660 : vector<1x16xf32> to vector<16xf32>
    %add3A_662 = arith.addf %add3A_656, %get3A_661 : vector<16xf32>
    %get3A_663 = arith.constant 5 : i32
    %get3A_664 = arith.index_cast %get3A_663 : i32 to index
    %get3A_665 = arith.constant 96 : index
    %get3A_666 = tpu.vector_load %arg7[%get3A_664, %get3A_665] {strides = array<i32>} : memref<32x128xf32, #tpu.memory_space<vmem>>, vector<1x16xf32>,
    %get3A_667 = vector.shape_cast %get3A_666 : vector<1x16xf32> to vector<16xf32>
    %add3A_668 = arith.addf %add3A_662, %get3A_667 : vector<16xf32>
    %get3A_669 = arith.constant 6 : i32
    %get3A_670 = arith.index_cast %get3A_669 : i32 to index
    %get3A_671 = arith.constant 96 : index
    %get3A_672 = tpu.vector_load %arg7[%get3A_670, %get3A_671] {strides = array<i32>} : memref<32x128xf32, #tpu.memory_space<vmem>>, vector<1x16xf32>,
    %get3A_673 = vector.shape_cast %get3A_672 : vector<1x16xf32> to vector<16xf32>
    %add3A_674 = arith.addf %add3A_668, %get3A_673 : vector<16xf32>
    %get3A_675 = arith.constant 7 : i32
    %get3A_676 = arith.index_cast %get3A_675 : i32 to index
    %get3A_677 = arith.constant 96 : index
    %get3A_678 = tpu.vector_load %arg7[%get3A_676, %get3A_677] {strides = array<i32>} : memref<32x128xf32, #tpu.memory_space<vmem>>, vector<1x16xf32>,
    %get3A_679 = vector.shape_cast %get3A_678 : vector<1x16xf32> to vector<16xf32>
    %add3A_680 = arith.addf %add3A_674, %get3A_679 : vector<16xf32>
    %get3A_681 = arith.constant 8 : i32
    %get3A_682 = arith.index_cast %get3A_681 : i32 to index
    %get3A_683 = arith.constant 96 : index
    %get3A_684 = tpu.vector_load %arg7[%get3A_682, %get3A_683] {strides = array<i32>} : memref<32x128xf32, #tpu.memory_space<vmem>>, vector<1x16xf32>,
    %get3A_685 = vector.shape_cast %get3A_684 : vector<1x16xf32> to vector<16xf32>
    %add3A_686 = arith.addf %add3A_680, %get3A_685 : vector<16xf32>
    %get3A_687 = arith.constant 9 : i32
    %get3A_688 = arith.index_cast %get3A_687 : i32 to index
    %get3A_689 = arith.constant 96 : index
    %get3A_690 = tpu.vector_load %arg7[%get3A_688, %get3A_689] {strides = array<i32>} : memref<32x128xf32, #tpu.memory_space<vmem>>, vector<1x16xf32>,
    %get3A_691 = vector.shape_cast %get3A_690 : vector<1x16xf32> to vector<16xf32>
    %add3A_692 = arith.addf %add3A_686, %get3A_691 : vector<16xf32>
    %get3A_693 = arith.constant 10 : i32
    %get3A_694 = arith.index_cast %get3A_693 : i32 to index
    %get3A_695 = arith.constant 96 : index
    %get3A_696 = tpu.vector_load %arg7[%get3A_694, %get3A_695] {strides = array<i32>} : memref<32x128xf32, #tpu.memory_space<vmem>>, vector<1x16xf32>,
    %get3A_697 = vector.shape_cast %get3A_696 : vector<1x16xf32> to vector<16xf32>
    %add3A_698 = arith.addf %add3A_692, %get3A_697 : vector<16xf32>
    %get3A_699 = arith.constant 11 : i32
    %get3A_700 = arith.index_cast %get3A_699 : i32 to index
    %get3A_701 = arith.constant 96 : index
    %get3A_702 = tpu.vector_load %arg7[%get3A_700, %get3A_701] {strides = array<i32>} : memref<32x128xf32, #tpu.memory_space<vmem>>, vector<1x16xf32>,
    %get3A_703 = vector.shape_cast %get3A_702 : vector<1x16xf32> to vector<16xf32>
    %add3A_704 = arith.addf %add3A_698, %get3A_703 : vector<16xf32>
    %get3A_705 = arith.constant 12 : i32
    %get3A_706 = arith.index_cast %get3A_705 : i32 to index
    %get3A_707 = arith.constant 96 : index
    %get3A_708 = tpu.vector_load %arg7[%get3A_706, %get3A_707] {strides = array<i32>} : memref<32x128xf32, #tpu.memory_space<vmem>>, vector<1x16xf32>,
    %get3A_709 = vector.shape_cast %get3A_708 : vector<1x16xf32> to vector<16xf32>
    %add3A_710 = arith.addf %add3A_704, %get3A_709 : vector<16xf32>
    %get3A_711 = arith.constant 13 : i32
    %get3A_712 = arith.index_cast %get3A_711 : i32 to index
    %get3A_713 = arith.constant 96 : index
    %get3A_714 = tpu.vector_load %arg7[%get3A_712, %get3A_713] {strides = array<i32>} : memref<32x128xf32, #tpu.memory_space<vmem>>, vector<1x16xf32>,
    %get3A_715 = vector.shape_cast %get3A_714 : vector<1x16xf32> to vector<16xf32>
    %add3A_716 = arith.addf %add3A_710, %get3A_715 : vector<16xf32>
    %get3A_717 = arith.constant 14 : i32
    %get3A_718 = arith.index_cast %get3A_717 : i32 to index
    %get3A_719 = arith.constant 96 : index
    %get3A_720 = tpu.vector_load %arg7[%get3A_718, %get3A_719] {strides = array<i32>} : memref<32x128xf32, #tpu.memory_space<vmem>>, vector<1x16xf32>,
    %get3A_721 = vector.shape_cast %get3A_720 : vector<1x16xf32> to vector<16xf32>
    %add3A_722 = arith.addf %add3A_716, %get3A_721 : vector<16xf32>
    %get3A_723 = arith.constant 15 : i32
    %get3A_724 = arith.index_cast %get3A_723 : i32 to index
    %get3A_725 = arith.constant 96 : index
    %get3A_726 = tpu.vector_load %arg7[%get3A_724, %get3A_725] {strides = array<i32>} : memref<32x128xf32, #tpu.memory_space<vmem>>, vector<1x16xf32>,
    %get3A_727 = vector.shape_cast %get3A_726 : vector<1x16xf32> to vector<16xf32>
    %add3A_728 = arith.addf %add3A_722, %get3A_727 : vector<16xf32>
    %swap3A_729 = arith.constant 0 : i32
    %swap3A_730 = arith.index_cast %swap3A_729 : i32 to index
    %swap3A_731 = arith.constant 96 : index
    %swap3A_732 = tpu.vector_load %arg8[%swap3A_730, %swap3A_731] {strides = array<i32>} : memref<2x128xf32, #tpu.memory_space<vmem>>, vector<1x16xf32>,
    %swap3A_733 = vector.shape_cast %swap3A_732 : vector<1x16xf32> to vector<16xf32>
    %swap3A_734 = vector.shape_cast %add3A_728 : vector<16xf32> to vector<1x16xf32>
    tpu.vector_store %arg8[%swap3A_730, %swap3A_731], %swap3A_734 {strides = array<i32>} : memref<2x128xf32, #tpu.memory_space<vmem>>, vector<1x16xf32>,
    %get3A_735 = arith.constant 0 : i32
    %get3A_736 = arith.index_cast %get3A_735 : i32 to index
    %get3A_737 = arith.constant 112 : index
    %get3A_738 = tpu.vector_load %arg7[%get3A_736, %get3A_737] {strides = array<i32>} : memref<32x128xf32, #tpu.memory_space<vmem>>, vector<1x16xf32>,
    %get3A_739 = vector.shape_cast %get3A_738 : vector<1x16xf32> to vector<16xf32>
    %get3A_740 = arith.constant 1 : i32
    %get3A_741 = arith.index_cast %get3A_740 : i32 to index
    %get3A_742 = arith.constant 112 : index
    %get3A_743 = tpu.vector_load %arg7[%get3A_741, %get3A_742] {strides = array<i32>} : memref<32x128xf32, #tpu.memory_space<vmem>>, vector<1x16xf32>,
    %get3A_744 = vector.shape_cast %get3A_743 : vector<1x16xf32> to vector<16xf32>
    %add3A_745 = arith.addf %get3A_739, %get3A_744 : vector<16xf32>
    %get3A_746 = arith.constant 2 : i32
    %get3A_747 = arith.index_cast %get3A_746 : i32 to index
    %get3A_748 = arith.constant 112 : index
    %get3A_749 = tpu.vector_load %arg7[%get3A_747, %get3A_748] {strides = array<i32>} : memref<32x128xf32, #tpu.memory_space<vmem>>, vector<1x16xf32>,
    %get3A_750 = vector.shape_cast %get3A_749 : vector<1x16xf32> to vector<16xf32>
    %add3A_751 = arith.addf %add3A_745, %get3A_750 : vector<16xf32>
    %get3A_752 = arith.constant 3 : i32
    %get3A_753 = arith.index_cast %get3A_752 : i32 to index
    %get3A_754 = arith.constant 112 : index
    %get3A_755 = tpu.vector_load %arg7[%get3A_753, %get3A_754] {strides = array<i32>} : memref<32x128xf32, #tpu.memory_space<vmem>>, vector<1x16xf32>,
    %get3A_756 = vector.shape_cast %get3A_755 : vector<1x16xf32> to vector<16xf32>
    %add3A_757 = arith.addf %add3A_751, %get3A_756 : vector<16xf32>
    %get3A_758 = arith.constant 4 : i32
    %get3A_759 = arith.index_cast %get3A_758 : i32 to index
    %get3A_760 = arith.constant 112 : index
    %get3A_761 = tpu.vector_load %arg7[%get3A_759, %get3A_760] {strides = array<i32>} : memref<32x128xf32, #tpu.memory_space<vmem>>, vector<1x16xf32>,
    %get3A_762 = vector.shape_cast %get3A_761 : vector<1x16xf32> to vector<16xf32>
    %add3A_763 = arith.addf %add3A_757, %get3A_762 : vector<16xf32>
    %get3A_764 = arith.constant 5 : i32
    %get3A_765 = arith.index_cast %get3A_764 : i32 to index
    %get3A_766 = arith.constant 112 : index
    %get3A_767 = tpu.vector_load %arg7[%get3A_765, %get3A_766] {strides = array<i32>} : memref<32x128xf32, #tpu.memory_space<vmem>>, vector<1x16xf32>,
    %get3A_768 = vector.shape_cast %get3A_767 : vector<1x16xf32> to vector<16xf32>
    %add3A_769 = arith.addf %add3A_763, %get3A_768 : vector<16xf32>
    %get3A_770 = arith.constant 6 : i32
    %get3A_771 = arith.index_cast %get3A_770 : i32 to index
    %get3A_772 = arith.constant 112 : index
    %get3A_773 = tpu.vector_load %arg7[%get3A_771, %get3A_772] {strides = array<i32>} : memref<32x128xf32, #tpu.memory_space<vmem>>, vector<1x16xf32>,
    %get3A_774 = vector.shape_cast %get3A_773 : vector<1x16xf32> to vector<16xf32>
    %add3A_775 = arith.addf %add3A_769, %get3A_774 : vector<16xf32>
    %get3A_776 = arith.constant 7 : i32
    %get3A_777 = arith.index_cast %get3A_776 : i32 to index
    %get3A_778 = arith.constant 112 : index
    %get3A_779 = tpu.vector_load %arg7[%get3A_777, %get3A_778] {strides = array<i32>} : memref<32x128xf32, #tpu.memory_space<vmem>>, vector<1x16xf32>,
    %get3A_780 = vector.shape_cast %get3A_779 : vector<1x16xf32> to vector<16xf32>
    %add3A_781 = arith.addf %add3A_775, %get3A_780 : vector<16xf32>
    %get3A_782 = arith.constant 8 : i32
    %get3A_783 = arith.index_cast %get3A_782 : i32 to index
    %get3A_784 = arith.constant 112 : index
    %get3A_785 = tpu.vector_load %arg7[%get3A_783, %get3A_784] {strides = array<i32>} : memref<32x128xf32, #tpu.memory_space<vmem>>, vector<1x16xf32>,
    %get3A_786 = vector.shape_cast %get3A_785 : vector<1x16xf32> to vector<16xf32>
    %add3A_787 = arith.addf %add3A_781, %get3A_786 : vector<16xf32>
    %get3A_788 = arith.constant 9 : i32
    %get3A_789 = arith.index_cast %get3A_788 : i32 to index
    %get3A_790 = arith.constant 112 : index
    %get3A_791 = tpu.vector_load %arg7[%get3A_789, %get3A_790] {strides = array<i32>} : memref<32x128xf32, #tpu.memory_space<vmem>>, vector<1x16xf32>,
    %get3A_792 = vector.shape_cast %get3A_791 : vector<1x16xf32> to vector<16xf32>
    %add3A_793 = arith.addf %add3A_787, %get3A_792 : vector<16xf32>
    %get3A_794 = arith.constant 10 : i32
    %get3A_795 = arith.index_cast %get3A_794 : i32 to index
    %get3A_796 = arith.constant 112 : index
    %get3A_797 = tpu.vector_load %arg7[%get3A_795, %get3A_796] {strides = array<i32>} : memref<32x128xf32, #tpu.memory_space<vmem>>, vector<1x16xf32>,
    %get3A_798 = vector.shape_cast %get3A_797 : vector<1x16xf32> to vector<16xf32>
    %add3A_799 = arith.addf %add3A_793, %get3A_798 : vector<16xf32>
    %get3A_800 = arith.constant 11 : i32
    %get3A_801 = arith.index_cast %get3A_800 : i32 to index
    %get3A_802 = arith.constant 112 : index
    %get3A_803 = tpu.vector_load %arg7[%get3A_801, %get3A_802] {strides = array<i32>} : memref<32x128xf32, #tpu.memory_space<vmem>>, vector<1x16xf32>,
    %get3A_804 = vector.shape_cast %get3A_803 : vector<1x16xf32> to vector<16xf32>
    %add3A_805 = arith.addf %add3A_799, %get3A_804 : vector<16xf32>
    %get3A_806 = arith.constant 12 : i32
    %get3A_807 = arith.index_cast %get3A_806 : i32 to index
    %get3A_808 = arith.constant 112 : index
    %get3A_809 = tpu.vector_load %arg7[%get3A_807, %get3A_808] {strides = array<i32>} : memref<32x128xf32, #tpu.memory_space<vmem>>, vector<1x16xf32>,
    %get3A_810 = vector.shape_cast %get3A_809 : vector<1x16xf32> to vector<16xf32>
    %add3A_811 = arith.addf %add3A_805, %get3A_810 : vector<16xf32>
    %get3A_812 = arith.constant 13 : i32
    %get3A_813 = arith.index_cast %get3A_812 : i32 to index
    %get3A_814 = arith.constant 112 : index
    %get3A_815 = tpu.vector_load %arg7[%get3A_813, %get3A_814] {strides = array<i32>} : memref<32x128xf32, #tpu.memory_space<vmem>>, vector<1x16xf32>,
    %get3A_816 = vector.shape_cast %get3A_815 : vector<1x16xf32> to vector<16xf32>
    %add3A_817 = arith.addf %add3A_811, %get3A_816 : vector<16xf32>
    %get3A_818 = arith.constant 14 : i32
    %get3A_819 = arith.index_cast %get3A_818 : i32 to index
    %get3A_820 = arith.constant 112 : index
    %get3A_821 = tpu.vector_load %arg7[%get3A_819, %get3A_820] {strides = array<i32>} : memref<32x128xf32, #tpu.memory_space<vmem>>, vector<1x16xf32>,
    %get3A_822 = vector.shape_cast %get3A_821 : vector<1x16xf32> to vector<16xf32>
    %add3A_823 = arith.addf %add3A_817, %get3A_822 : vector<16xf32>
    %get3A_824 = arith.constant 15 : i32
    %get3A_825 = arith.index_cast %get3A_824 : i32 to index
    %get3A_826 = arith.constant 112 : index
    %get3A_827 = tpu.vector_load %arg7[%get3A_825, %get3A_826] {strides = array<i32>} : memref<32x128xf32, #tpu.memory_space<vmem>>, vector<1x16xf32>,
    %get3A_828 = vector.shape_cast %get3A_827 : vector<1x16xf32> to vector<16xf32>
    %add3A_829 = arith.addf %add3A_823, %get3A_828 : vector<16xf32>
    %swap3A_830 = arith.constant 0 : i32
    %swap3A_831 = arith.index_cast %swap3A_830 : i32 to index
    %swap3A_832 = arith.constant 112 : index
    %swap3A_833 = tpu.vector_load %arg8[%swap3A_831, %swap3A_832] {strides = array<i32>} : memref<2x128xf32, #tpu.memory_space<vmem>>, vector<1x16xf32>,
    %swap3A_834 = vector.shape_cast %swap3A_833 : vector<1x16xf32> to vector<16xf32>
    %swap3A_835 = vector.shape_cast %add3A_829 : vector<16xf32> to vector<1x16xf32>
    tpu.vector_store %arg8[%swap3A_831, %swap3A_832], %swap3A_835 {strides = array<i32>} : memref<2x128xf32, #tpu.memory_space<vmem>>, vector<1x16xf32>,
    %get3A_836 = arith.constant 16 : i32
    %get3A_837 = arith.index_cast %get3A_836 : i32 to index
    %get3A_838 = arith.constant 0 : index
    %get3A_839 = tpu.vector_load %arg7[%get3A_837, %get3A_838] {strides = array<i32>} : memref<32x128xf32, #tpu.memory_space<vmem>>, vector<1x16xf32>,
    %get3A_840 = vector.shape_cast %get3A_839 : vector<1x16xf32> to vector<16xf32>
    %get3A_841 = arith.constant 17 : i32
    %get3A_842 = arith.index_cast %get3A_841 : i32 to index
    %get3A_843 = arith.constant 0 : index
    %get3A_844 = tpu.vector_load %arg7[%get3A_842, %get3A_843] {strides = array<i32>} : memref<32x128xf32, #tpu.memory_space<vmem>>, vector<1x16xf32>,
    %get3A_845 = vector.shape_cast %get3A_844 : vector<1x16xf32> to vector<16xf32>
    %add3A_846 = arith.addf %get3A_840, %get3A_845 : vector<16xf32>
    %get3A_847 = arith.constant 18 : i32
    %get3A_848 = arith.index_cast %get3A_847 : i32 to index
    %get3A_849 = arith.constant 0 : index
    %get3A_850 = tpu.vector_load %arg7[%get3A_848, %get3A_849] {strides = array<i32>} : memref<32x128xf32, #tpu.memory_space<vmem>>, vector<1x16xf32>,
    %get3A_851 = vector.shape_cast %get3A_850 : vector<1x16xf32> to vector<16xf32>
    %add3A_852 = arith.addf %add3A_846, %get3A_851 : vector<16xf32>
    %get3A_853 = arith.constant 19 : i32
    %get3A_854 = arith.index_cast %get3A_853 : i32 to index
    %get3A_855 = arith.constant 0 : index
    %get3A_856 = tpu.vector_load %arg7[%get3A_854, %get3A_855] {strides = array<i32>} : memref<32x128xf32, #tpu.memory_space<vmem>>, vector<1x16xf32>,
    %get3A_857 = vector.shape_cast %get3A_856 : vector<1x16xf32> to vector<16xf32>
    %add3A_858 = arith.addf %add3A_852, %get3A_857 : vector<16xf32>
    %get3A_859 = arith.constant 20 : i32
    %get3A_860 = arith.index_cast %get3A_859 : i32 to index
    %get3A_861 = arith.constant 0 : index
    %get3A_862 = tpu.vector_load %arg7[%get3A_860, %get3A_861] {strides = array<i32>} : memref<32x128xf32, #tpu.memory_space<vmem>>, vector<1x16xf32>,
    %get3A_863 = vector.shape_cast %get3A_862 : vector<1x16xf32> to vector<16xf32>
    %add3A_864 = arith.addf %add3A_858, %get3A_863 : vector<16xf32>
    %get3A_865 = arith.constant 21 : i32
    %get3A_866 = arith.index_cast %get3A_865 : i32 to index
    %get3A_867 = arith.constant 0 : index
    %get3A_868 = tpu.vector_load %arg7[%get3A_866, %get3A_867] {strides = array<i32>} : memref<32x128xf32, #tpu.memory_space<vmem>>, vector<1x16xf32>,
    %get3A_869 = vector.shape_cast %get3A_868 : vector<1x16xf32> to vector<16xf32>
    %add3A_870 = arith.addf %add3A_864, %get3A_869 : vector<16xf32>
    %get3A_871 = arith.constant 22 : i32
    %get3A_872 = arith.index_cast %get3A_871 : i32 to index
    %get3A_873 = arith.constant 0 : index
    %get3A_874 = tpu.vector_load %arg7[%get3A_872, %get3A_873] {strides = array<i32>} : memref<32x128xf32, #tpu.memory_space<vmem>>, vector<1x16xf32>,
    %get3A_875 = vector.shape_cast %get3A_874 : vector<1x16xf32> to vector<16xf32>
    %add3A_876 = arith.addf %add3A_870, %get3A_875 : vector<16xf32>
    %get3A_877 = arith.constant 23 : i32
    %get3A_878 = arith.index_cast %get3A_877 : i32 to index
    %get3A_879 = arith.constant 0 : index
    %get3A_880 = tpu.vector_load %arg7[%get3A_878, %get3A_879] {strides = array<i32>} : memref<32x128xf32, #tpu.memory_space<vmem>>, vector<1x16xf32>,
    %get3A_881 = vector.shape_cast %get3A_880 : vector<1x16xf32> to vector<16xf32>
    %add3A_882 = arith.addf %add3A_876, %get3A_881 : vector<16xf32>
    %get3A_883 = arith.constant 24 : i32
    %get3A_884 = arith.index_cast %get3A_883 : i32 to index
    %get3A_885 = arith.constant 0 : index
    %get3A_886 = tpu.vector_load %arg7[%get3A_884, %get3A_885] {strides = array<i32>} : memref<32x128xf32, #tpu.memory_space<vmem>>, vector<1x16xf32>,
    %get3A_887 = vector.shape_cast %get3A_886 : vector<1x16xf32> to vector<16xf32>
    %add3A_888 = arith.addf %add3A_882, %get3A_887 : vector<16xf32>
    %get3A_889 = arith.constant 25 : i32
    %get3A_890 = arith.index_cast %get3A_889 : i32 to index
    %get3A_891 = arith.constant 0 : index
    %get3A_892 = tpu.vector_load %arg7[%get3A_890, %get3A_891] {strides = array<i32>} : memref<32x128xf32, #tpu.memory_space<vmem>>, vector<1x16xf32>,
    %get3A_893 = vector.shape_cast %get3A_892 : vector<1x16xf32> to vector<16xf32>
    %add3A_894 = arith.addf %add3A_888, %get3A_893 : vector<16xf32>
    %get3A_895 = arith.constant 26 : i32
    %get3A_896 = arith.index_cast %get3A_895 : i32 to index
    %get3A_897 = arith.constant 0 : index
    %get3A_898 = tpu.vector_load %arg7[%get3A_896, %get3A_897] {strides = array<i32>} : memref<32x128xf32, #tpu.memory_space<vmem>>, vector<1x16xf32>,
    %get3A_899 = vector.shape_cast %get3A_898 : vector<1x16xf32> to vector<16xf32>
    %add3A_900 = arith.addf %add3A_894, %get3A_899 : vector<16xf32>
    %get3A_901 = arith.constant 27 : i32
    %get3A_902 = arith.index_cast %get3A_901 : i32 to index
    %get3A_903 = arith.constant 0 : index
    %get3A_904 = tpu.vector_load %arg7[%get3A_902, %get3A_903] {strides = array<i32>} : memref<32x128xf32, #tpu.memory_space<vmem>>, vector<1x16xf32>,
    %get3A_905 = vector.shape_cast %get3A_904 : vector<1x16xf32> to vector<16xf32>
    %add3A_906 = arith.addf %add3A_900, %get3A_905 : vector<16xf32>
    %get3A_907 = arith.constant 28 : i32
    %get3A_908 = arith.index_cast %get3A_907 : i32 to index
    %get3A_909 = arith.constant 0 : index
    %get3A_910 = tpu.vector_load %arg7[%get3A_908, %get3A_909] {strides = array<i32>} : memref<32x128xf32, #tpu.memory_space<vmem>>, vector<1x16xf32>,
    %get3A_911 = vector.shape_cast %get3A_910 : vector<1x16xf32> to vector<16xf32>
    %add3A_912 = arith.addf %add3A_906, %get3A_911 : vector<16xf32>
    %get3A_913 = arith.constant 29 : i32
    %get3A_914 = arith.index_cast %get3A_913 : i32 to index
    %get3A_915 = arith.constant 0 : index
    %get3A_916 = tpu.vector_load %arg7[%get3A_914, %get3A_915] {strides = array<i32>} : memref<32x128xf32, #tpu.memory_space<vmem>>, vector<1x16xf32>,
    %get3A_917 = vector.shape_cast %get3A_916 : vector<1x16xf32> to vector<16xf32>
    %add3A_918 = arith.addf %add3A_912, %get3A_917 : vector<16xf32>
    %get3A_919 = arith.constant 30 : i32
    %get3A_920 = arith.index_cast %get3A_919 : i32 to index
    %get3A_921 = arith.constant 0 : index
    %get3A_922 = tpu.vector_load %arg7[%get3A_920, %get3A_921] {strides = array<i32>} : memref<32x128xf32, #tpu.memory_space<vmem>>, vector<1x16xf32>,
    %get3A_923 = vector.shape_cast %get3A_922 : vector<1x16xf32> to vector<16xf32>
    %add3A_924 = arith.addf %add3A_918, %get3A_923 : vector<16xf32>
    %get3A_925 = arith.constant 31 : i32
    %get3A_926 = arith.index_cast %get3A_925 : i32 to index
    %get3A_927 = arith.constant 0 : index
    %get3A_928 = tpu.vector_load %arg7[%get3A_926, %get3A_927] {strides = array<i32>} : memref<32x128xf32, #tpu.memory_space<vmem>>, vector<1x16xf32>,
    %get3A_929 = vector.shape_cast %get3A_928 : vector<1x16xf32> to vector<16xf32>
    %add3A_930 = arith.addf %add3A_924, %get3A_929 : vector<16xf32>
    %swap3A_931 = arith.constant 1 : i32
    %swap3A_932 = arith.index_cast %swap3A_931 : i32 to index
    %swap3A_933 = arith.constant 0 : index
    %swap3A_934 = tpu.vector_load %arg8[%swap3A_932, %swap3A_933] {strides = array<i32>} : memref<2x128xf32, #tpu.memory_space<vmem>>, vector<1x16xf32>,
    %swap3A_935 = vector.shape_cast %swap3A_934 : vector<1x16xf32> to vector<16xf32>
    %swap3A_936 = vector.shape_cast %add3A_930 : vector<16xf32> to vector<1x16xf32>
    tpu.vector_store %arg8[%swap3A_932, %swap3A_933], %swap3A_936 {strides = array<i32>} : memref<2x128xf32, #tpu.memory_space<vmem>>, vector<1x16xf32>,
    %get3A_937 = arith.constant 16 : i32
    %get3A_938 = arith.index_cast %get3A_937 : i32 to index
    %get3A_939 = arith.constant 16 : index
    %get3A_940 = tpu.vector_load %arg7[%get3A_938, %get3A_939] {strides = array<i32>} : memref<32x128xf32, #tpu.memory_space<vmem>>, vector<1x16xf32>,
    %get3A_941 = vector.shape_cast %get3A_940 : vector<1x16xf32> to vector<16xf32>
    %get3A_942 = arith.constant 17 : i32
    %get3A_943 = arith.index_cast %get3A_942 : i32 to index
    %get3A_944 = arith.constant 16 : index
    %get3A_945 = tpu.vector_load %arg7[%get3A_943, %get3A_944] {strides = array<i32>} : memref<32x128xf32, #tpu.memory_space<vmem>>, vector<1x16xf32>,
    %get3A_946 = vector.shape_cast %get3A_945 : vector<1x16xf32> to vector<16xf32>
    %add3A_947 = arith.addf %get3A_941, %get3A_946 : vector<16xf32>
    %get3A_948 = arith.constant 18 : i32
    %get3A_949 = arith.index_cast %get3A_948 : i32 to index
    %get3A_950 = arith.constant 16 : index
    %get3A_951 = tpu.vector_load %arg7[%get3A_949, %get3A_950] {strides = array<i32>} : memref<32x128xf32, #tpu.memory_space<vmem>>, vector<1x16xf32>,
    %get3A_952 = vector.shape_cast %get3A_951 : vector<1x16xf32> to vector<16xf32>
    %add3A_953 = arith.addf %add3A_947, %get3A_952 : vector<16xf32>
    %get3A_954 = arith.constant 19 : i32
    %get3A_955 = arith.index_cast %get3A_954 : i32 to index
    %get3A_956 = arith.constant 16 : index
    %get3A_957 = tpu.vector_load %arg7[%get3A_955, %get3A_956] {strides = array<i32>} : memref<32x128xf32, #tpu.memory_space<vmem>>, vector<1x16xf32>,
    %get3A_958 = vector.shape_cast %get3A_957 : vector<1x16xf32> to vector<16xf32>
    %add3A_959 = arith.addf %add3A_953, %get3A_958 : vector<16xf32>
    %get3A_960 = arith.constant 20 : i32
    %get3A_961 = arith.index_cast %get3A_960 : i32 to index
    %get3A_962 = arith.constant 16 : index
    %get3A_963 = tpu.vector_load %arg7[%get3A_961, %get3A_962] {strides = array<i32>} : memref<32x128xf32, #tpu.memory_space<vmem>>, vector<1x16xf32>,
    %get3A_964 = vector.shape_cast %get3A_963 : vector<1x16xf32> to vector<16xf32>
    %add3A_965 = arith.addf %add3A_959, %get3A_964 : vector<16xf32>
    %get3A_966 = arith.constant 21 : i32
    %get3A_967 = arith.index_cast %get3A_966 : i32 to index
    %get3A_968 = arith.constant 16 : index
    %get3A_969 = tpu.vector_load %arg7[%get3A_967, %get3A_968] {strides = array<i32>} : memref<32x128xf32, #tpu.memory_space<vmem>>, vector<1x16xf32>,
    %get3A_970 = vector.shape_cast %get3A_969 : vector<1x16xf32> to vector<16xf32>
    %add3A_971 = arith.addf %add3A_965, %get3A_970 : vector<16xf32>
    %get3A_972 = arith.constant 22 : i32
    %get3A_973 = arith.index_cast %get3A_972 : i32 to index
    %get3A_974 = arith.constant 16 : index
    %get3A_975 = tpu.vector_load %arg7[%get3A_973, %get3A_974] {strides = array<i32>} : memref<32x128xf32, #tpu.memory_space<vmem>>, vector<1x16xf32>,
    %get3A_976 = vector.shape_cast %get3A_975 : vector<1x16xf32> to vector<16xf32>
    %add3A_977 = arith.addf %add3A_971, %get3A_976 : vector<16xf32>
    %get3A_978 = arith.constant 23 : i32
    %get3A_979 = arith.index_cast %get3A_978 : i32 to index
    %get3A_980 = arith.constant 16 : index
    %get3A_981 = tpu.vector_load %arg7[%get3A_979, %get3A_980] {strides = array<i32>} : memref<32x128xf32, #tpu.memory_space<vmem>>, vector<1x16xf32>,
    %get3A_982 = vector.shape_cast %get3A_981 : vector<1x16xf32> to vector<16xf32>
    %add3A_983 = arith.addf %add3A_977, %get3A_982 : vector<16xf32>
    %get3A_984 = arith.constant 24 : i32
    %get3A_985 = arith.index_cast %get3A_984 : i32 to index
    %get3A_986 = arith.constant 16 : index
    %get3A_987 = tpu.vector_load %arg7[%get3A_985, %get3A_986] {strides = array<i32>} : memref<32x128xf32, #tpu.memory_space<vmem>>, vector<1x16xf32>,
    %get3A_988 = vector.shape_cast %get3A_987 : vector<1x16xf32> to vector<16xf32>
    %add3A_989 = arith.addf %add3A_983, %get3A_988 : vector<16xf32>
    %get3A_990 = arith.constant 25 : i32
    %get3A_991 = arith.index_cast %get3A_990 : i32 to index
    %get3A_992 = arith.constant 16 : index
    %get3A_993 = tpu.vector_load %arg7[%get3A_991, %get3A_992] {strides = array<i32>} : memref<32x128xf32, #tpu.memory_space<vmem>>, vector<1x16xf32>,
    %get3A_994 = vector.shape_cast %get3A_993 : vector<1x16xf32> to vector<16xf32>
    %add3A_995 = arith.addf %add3A_989, %get3A_994 : vector<16xf32>
    %get3A_996 = arith.constant 26 : i32
    %get3A_997 = arith.index_cast %get3A_996 : i32 to index
    %get3A_998 = arith.constant 16 : index
    %get3A_999 = tpu.vector_load %arg7[%get3A_997, %get3A_998] {strides = array<i32>} : memref<32x128xf32, #tpu.memory_space<vmem>>, vector<1x16xf32>,
    %get3A_1000 = vector.shape_cast %get3A_999 : vector<1x16xf32> to vector<16xf32>
    %add3A_1001 = arith.addf %add3A_995, %get3A_1000 : vector<16xf32>
    %get3A_1002 = arith.constant 27 : i32
    %get3A_1003 = arith.index_cast %get3A_1002 : i32 to index
    %get3A_1004 = arith.constant 16 : index
    %get3A_1005 = tpu.vector_load %arg7[%get3A_1003, %get3A_1004] {strides = array<i32>} : memref<32x128xf32, #tpu.memory_space<vmem>>, vector<1x16xf32>,
    %get3A_1006 = vector.shape_cast %get3A_1005 : vector<1x16xf32> to vector<16xf32>
    %add3A_1007 = arith.addf %add3A_1001, %get3A_1006 : vector<16xf32>
    %get3A_1008 = arith.constant 28 : i32
    %get3A_1009 = arith.index_cast %get3A_1008 : i32 to index
    %get3A_1010 = arith.constant 16 : index
    %get3A_1011 = tpu.vector_load %arg7[%get3A_1009, %get3A_1010] {strides = array<i32>} : memref<32x128xf32, #tpu.memory_space<vmem>>, vector<1x16xf32>,
    %get3A_1012 = vector.shape_cast %get3A_1011 : vector<1x16xf32> to vector<16xf32>
    %add3A_1013 = arith.addf %add3A_1007, %get3A_1012 : vector<16xf32>
    %get3A_1014 = arith.constant 29 : i32
    %get3A_1015 = arith.index_cast %get3A_1014 : i32 to index
    %get3A_1016 = arith.constant 16 : index
    %get3A_1017 = tpu.vector_load %arg7[%get3A_1015, %get3A_1016] {strides = array<i32>} : memref<32x128xf32, #tpu.memory_space<vmem>>, vector<1x16xf32>,
    %get3A_1018 = vector.shape_cast %get3A_1017 : vector<1x16xf32> to vector<16xf32>
    %add3A_1019 = arith.addf %add3A_1013, %get3A_1018 : vector<16xf32>
    %get3A_1020 = arith.constant 30 : i32
    %get3A_1021 = arith.index_cast %get3A_1020 : i32 to index
    %get3A_1022 = arith.constant 16 : index
    %get3A_1023 = tpu.vector_load %arg7[%get3A_1021, %get3A_1022] {strides = array<i32>} : memref<32x128xf32, #tpu.memory_space<vmem>>, vector<1x16xf32>,
    %get3A_1024 = vector.shape_cast %get3A_1023 : vector<1x16xf32> to vector<16xf32>
    %add3A_1025 = arith.addf %add3A_1019, %get3A_1024 : vector<16xf32>
    %get3A_1026 = arith.constant 31 : i32
    %get3A_1027 = arith.index_cast %get3A_1026 : i32 to index
    %get3A_1028 = arith.constant 16 : index
    %get3A_1029 = tpu.vector_load %arg7[%get3A_1027, %get3A_1028] {strides = array<i32>} : memref<32x128xf32, #tpu.memory_space<vmem>>, vector<1x16xf32>,
    %get3A_1030 = vector.shape_cast %get3A_1029 : vector<1x16xf32> to vector<16xf32>
    %add3A_1031 = arith.addf %add3A_1025, %get3A_1030 : vector<16xf32>
    %swap3A_1032 = arith.constant 1 : i32
    %swap3A_1033 = arith.index_cast %swap3A_1032 : i32 to index
    %swap3A_1034 = arith.constant 16 : index
    %swap3A_1035 = tpu.vector_load %arg8[%swap3A_1033, %swap3A_1034] {strides = array<i32>} : memref<2x128xf32, #tpu.memory_space<vmem>>, vector<1x16xf32>,
    %swap3A_1036 = vector.shape_cast %swap3A_1035 : vector<1x16xf32> to vector<16xf32>
    %swap3A_1037 = vector.shape_cast %add3A_1031 : vector<16xf32> to vector<1x16xf32>
    tpu.vector_store %arg8[%swap3A_1033, %swap3A_1034], %swap3A_1037 {strides = array<i32>} : memref<2x128xf32, #tpu.memory_space<vmem>>, vector<1x16xf32>,
    %get3A_1038 = arith.constant 16 : i32
    %get3A_1039 = arith.index_cast %get3A_1038 : i32 to index
    %get3A_1040 = arith.constant 32 : index
    %get3A_1041 = tpu.vector_load %arg7[%get3A_1039, %get3A_1040] {strides = array<i32>} : memref<32x128xf32, #tpu.memory_space<vmem>>, vector<1x16xf32>,
    %get3A_1042 = vector.shape_cast %get3A_1041 : vector<1x16xf32> to vector<16xf32>
    %get3A_1043 = arith.constant 17 : i32
    %get3A_1044 = arith.index_cast %get3A_1043 : i32 to index
    %get3A_1045 = arith.constant 32 : index
    %get3A_1046 = tpu.vector_load %arg7[%get3A_1044, %get3A_1045] {strides = array<i32>} : memref<32x128xf32, #tpu.memory_space<vmem>>, vector<1x16xf32>,
    %get3A_1047 = vector.shape_cast %get3A_1046 : vector<1x16xf32> to vector<16xf32>
    %add3A_1048 = arith.addf %get3A_1042, %get3A_1047 : vector<16xf32>
    %get3A_1049 = arith.constant 18 : i32
    %get3A_1050 = arith.index_cast %get3A_1049 : i32 to index
    %get3A_1051 = arith.constant 32 : index
    %get3A_1052 = tpu.vector_load %arg7[%get3A_1050, %get3A_1051] {strides = array<i32>} : memref<32x128xf32, #tpu.memory_space<vmem>>, vector<1x16xf32>,
    %get3A_1053 = vector.shape_cast %get3A_1052 : vector<1x16xf32> to vector<16xf32>
    %add3A_1054 = arith.addf %add3A_1048, %get3A_1053 : vector<16xf32>
    %get3A_1055 = arith.constant 19 : i32
    %get3A_1056 = arith.index_cast %get3A_1055 : i32 to index
    %get3A_1057 = arith.constant 32 : index
    %get3A_1058 = tpu.vector_load %arg7[%get3A_1056, %get3A_1057] {strides = array<i32>} : memref<32x128xf32, #tpu.memory_space<vmem>>, vector<1x16xf32>,
    %get3A_1059 = vector.shape_cast %get3A_1058 : vector<1x16xf32> to vector<16xf32>
    %add3A_1060 = arith.addf %add3A_1054, %get3A_1059 : vector<16xf32>
    %get3A_1061 = arith.constant 20 : i32
    %get3A_1062 = arith.index_cast %get3A_1061 : i32 to index
    %get3A_1063 = arith.constant 32 : index
    %get3A_1064 = tpu.vector_load %arg7[%get3A_1062, %get3A_1063] {strides = array<i32>} : memref<32x128xf32, #tpu.memory_space<vmem>>, vector<1x16xf32>,
    %get3A_1065 = vector.shape_cast %get3A_1064 : vector<1x16xf32> to vector<16xf32>
    %add3A_1066 = arith.addf %add3A_1060, %get3A_1065 : vector<16xf32>
    %get3A_1067 = arith.constant 21 : i32
    %get3A_1068 = arith.index_cast %get3A_1067 : i32 to index
    %get3A_1069 = arith.constant 32 : index
    %get3A_1070 = tpu.vector_load %arg7[%get3A_1068, %get3A_1069] {strides = array<i32>} : memref<32x128xf32, #tpu.memory_space<vmem>>, vector<1x16xf32>,
    %get3A_1071 = vector.shape_cast %get3A_1070 : vector<1x16xf32> to vector<16xf32>
    %add3A_1072 = arith.addf %add3A_1066, %get3A_1071 : vector<16xf32>
    %get3A_1073 = arith.constant 22 : i32
    %get3A_1074 = arith.index_cast %get3A_1073 : i32 to index
    %get3A_1075 = arith.constant 32 : index
    %get3A_1076 = tpu.vector_load %arg7[%get3A_1074, %get3A_1075] {strides = array<i32>} : memref<32x128xf32, #tpu.memory_space<vmem>>, vector<1x16xf32>,
    %get3A_1077 = vector.shape_cast %get3A_1076 : vector<1x16xf32> to vector<16xf32>
    %add3A_1078 = arith.addf %add3A_1072, %get3A_1077 : vector<16xf32>
    %get3A_1079 = arith.constant 23 : i32
    %get3A_1080 = arith.index_cast %get3A_1079 : i32 to index
    %get3A_1081 = arith.constant 32 : index
    %get3A_1082 = tpu.vector_load %arg7[%get3A_1080, %get3A_1081] {strides = array<i32>} : memref<32x128xf32, #tpu.memory_space<vmem>>, vector<1x16xf32>,
    %get3A_1083 = vector.shape_cast %get3A_1082 : vector<1x16xf32> to vector<16xf32>
    %add3A_1084 = arith.addf %add3A_1078, %get3A_1083 : vector<16xf32>
    %get3A_1085 = arith.constant 24 : i32
    %get3A_1086 = arith.index_cast %get3A_1085 : i32 to index
    %get3A_1087 = arith.constant 32 : index
    %get3A_1088 = tpu.vector_load %arg7[%get3A_1086, %get3A_1087] {strides = array<i32>} : memref<32x128xf32, #tpu.memory_space<vmem>>, vector<1x16xf32>,
    %get3A_1089 = vector.shape_cast %get3A_1088 : vector<1x16xf32> to vector<16xf32>
    %add3A_1090 = arith.addf %add3A_1084, %get3A_1089 : vector<16xf32>
    %get3A_1091 = arith.constant 25 : i32
    %get3A_1092 = arith.index_cast %get3A_1091 : i32 to index
    %get3A_1093 = arith.constant 32 : index
    %get3A_1094 = tpu.vector_load %arg7[%get3A_1092, %get3A_1093] {strides = array<i32>} : memref<32x128xf32, #tpu.memory_space<vmem>>, vector<1x16xf32>,
    %get3A_1095 = vector.shape_cast %get3A_1094 : vector<1x16xf32> to vector<16xf32>
    %add3A_1096 = arith.addf %add3A_1090, %get3A_1095 : vector<16xf32>
    %get3A_1097 = arith.constant 26 : i32
    %get3A_1098 = arith.index_cast %get3A_1097 : i32 to index
    %get3A_1099 = arith.constant 32 : index
    %get3A_1100 = tpu.vector_load %arg7[%get3A_1098, %get3A_1099] {strides = array<i32>} : memref<32x128xf32, #tpu.memory_space<vmem>>, vector<1x16xf32>,
    %get3A_1101 = vector.shape_cast %get3A_1100 : vector<1x16xf32> to vector<16xf32>
    %add3A_1102 = arith.addf %add3A_1096, %get3A_1101 : vector<16xf32>
    %get3A_1103 = arith.constant 27 : i32
    %get3A_1104 = arith.index_cast %get3A_1103 : i32 to index
    %get3A_1105 = arith.constant 32 : index
    %get3A_1106 = tpu.vector_load %arg7[%get3A_1104, %get3A_1105] {strides = array<i32>} : memref<32x128xf32, #tpu.memory_space<vmem>>, vector<1x16xf32>,
    %get3A_1107 = vector.shape_cast %get3A_1106 : vector<1x16xf32> to vector<16xf32>
    %add3A_1108 = arith.addf %add3A_1102, %get3A_1107 : vector<16xf32>
    %get3A_1109 = arith.constant 28 : i32
    %get3A_1110 = arith.index_cast %get3A_1109 : i32 to index
    %get3A_1111 = arith.constant 32 : index
    %get3A_1112 = tpu.vector_load %arg7[%get3A_1110, %get3A_1111] {strides = array<i32>} : memref<32x128xf32, #tpu.memory_space<vmem>>, vector<1x16xf32>,
    %get3A_1113 = vector.shape_cast %get3A_1112 : vector<1x16xf32> to vector<16xf32>
    %add3A_1114 = arith.addf %add3A_1108, %get3A_1113 : vector<16xf32>
    %get3A_1115 = arith.constant 29 : i32
    %get3A_1116 = arith.index_cast %get3A_1115 : i32 to index
    %get3A_1117 = arith.constant 32 : index
    %get3A_1118 = tpu.vector_load %arg7[%get3A_1116, %get3A_1117] {strides = array<i32>} : memref<32x128xf32, #tpu.memory_space<vmem>>, vector<1x16xf32>,
    %get3A_1119 = vector.shape_cast %get3A_1118 : vector<1x16xf32> to vector<16xf32>
    %add3A_1120 = arith.addf %add3A_1114, %get3A_1119 : vector<16xf32>
    %get3A_1121 = arith.constant 30 : i32
    %get3A_1122 = arith.index_cast %get3A_1121 : i32 to index
    %get3A_1123 = arith.constant 32 : index
    %get3A_1124 = tpu.vector_load %arg7[%get3A_1122, %get3A_1123] {strides = array<i32>} : memref<32x128xf32, #tpu.memory_space<vmem>>, vector<1x16xf32>,
    %get3A_1125 = vector.shape_cast %get3A_1124 : vector<1x16xf32> to vector<16xf32>
    %add3A_1126 = arith.addf %add3A_1120, %get3A_1125 : vector<16xf32>
    %get3A_1127 = arith.constant 31 : i32
    %get3A_1128 = arith.index_cast %get3A_1127 : i32 to index
    %get3A_1129 = arith.constant 32 : index
    %get3A_1130 = tpu.vector_load %arg7[%get3A_1128, %get3A_1129] {strides = array<i32>} : memref<32x128xf32, #tpu.memory_space<vmem>>, vector<1x16xf32>,
    %get3A_1131 = vector.shape_cast %get3A_1130 : vector<1x16xf32> to vector<16xf32>
    %add3A_1132 = arith.addf %add3A_1126, %get3A_1131 : vector<16xf32>
    %swap3A_1133 = arith.constant 1 : i32
    %swap3A_1134 = arith.index_cast %swap3A_1133 : i32 to index
    %swap3A_1135 = arith.constant 32 : index
    %swap3A_1136 = tpu.vector_load %arg8[%swap3A_1134, %swap3A_1135] {strides = array<i32>} : memref<2x128xf32, #tpu.memory_space<vmem>>, vector<1x16xf32>,
    %swap3A_1137 = vector.shape_cast %swap3A_1136 : vector<1x16xf32> to vector<16xf32>
    %swap3A_1138 = vector.shape_cast %add3A_1132 : vector<16xf32> to vector<1x16xf32>
    tpu.vector_store %arg8[%swap3A_1134, %swap3A_1135], %swap3A_1138 {strides = array<i32>} : memref<2x128xf32, #tpu.memory_space<vmem>>, vector<1x16xf32>,
    %get3A_1139 = arith.constant 16 : i32
    %get3A_1140 = arith.index_cast %get3A_1139 : i32 to index
    %get3A_1141 = arith.constant 48 : index
    %get3A_1142 = tpu.vector_load %arg7[%get3A_1140, %get3A_1141] {strides = array<i32>} : memref<32x128xf32, #tpu.memory_space<vmem>>, vector<1x16xf32>,
    %get3A_1143 = vector.shape_cast %get3A_1142 : vector<1x16xf32> to vector<16xf32>
    %get3A_1144 = arith.constant 17 : i32
    %get3A_1145 = arith.index_cast %get3A_1144 : i32 to index
    %get3A_1146 = arith.constant 48 : index
    %get3A_1147 = tpu.vector_load %arg7[%get3A_1145, %get3A_1146] {strides = array<i32>} : memref<32x128xf32, #tpu.memory_space<vmem>>, vector<1x16xf32>,
    %get3A_1148 = vector.shape_cast %get3A_1147 : vector<1x16xf32> to vector<16xf32>
    %add3A_1149 = arith.addf %get3A_1143, %get3A_1148 : vector<16xf32>
    %get3A_1150 = arith.constant 18 : i32
    %get3A_1151 = arith.index_cast %get3A_1150 : i32 to index
    %get3A_1152 = arith.constant 48 : index
    %get3A_1153 = tpu.vector_load %arg7[%get3A_1151, %get3A_1152] {strides = array<i32>} : memref<32x128xf32, #tpu.memory_space<vmem>>, vector<1x16xf32>,
    %get3A_1154 = vector.shape_cast %get3A_1153 : vector<1x16xf32> to vector<16xf32>
    %add3A_1155 = arith.addf %add3A_1149, %get3A_1154 : vector<16xf32>
    %get3A_1156 = arith.constant 19 : i32
    %get3A_1157 = arith.index_cast %get3A_1156 : i32 to index
    %get3A_1158 = arith.constant 48 : index
    %get3A_1159 = tpu.vector_load %arg7[%get3A_1157, %get3A_1158] {strides = array<i32>} : memref<32x128xf32, #tpu.memory_space<vmem>>, vector<1x16xf32>,
    %get3A_1160 = vector.shape_cast %get3A_1159 : vector<1x16xf32> to vector<16xf32>
    %add3A_1161 = arith.addf %add3A_1155, %get3A_1160 : vector<16xf32>
    %get3A_1162 = arith.constant 20 : i32
    %get3A_1163 = arith.index_cast %get3A_1162 : i32 to index
    %get3A_1164 = arith.constant 48 : index
    %get3A_1165 = tpu.vector_load %arg7[%get3A_1163, %get3A_1164] {strides = array<i32>} : memref<32x128xf32, #tpu.memory_space<vmem>>, vector<1x16xf32>,
    %get3A_1166 = vector.shape_cast %get3A_1165 : vector<1x16xf32> to vector<16xf32>
    %add3A_1167 = arith.addf %add3A_1161, %get3A_1166 : vector<16xf32>
    %get3A_1168 = arith.constant 21 : i32
    %get3A_1169 = arith.index_cast %get3A_1168 : i32 to index
    %get3A_1170 = arith.constant 48 : index
    %get3A_1171 = tpu.vector_load %arg7[%get3A_1169, %get3A_1170] {strides = array<i32>} : memref<32x128xf32, #tpu.memory_space<vmem>>, vector<1x16xf32>,
    %get3A_1172 = vector.shape_cast %get3A_1171 : vector<1x16xf32> to vector<16xf32>
    %add3A_1173 = arith.addf %add3A_1167, %get3A_1172 : vector<16xf32>
    %get3A_1174 = arith.constant 22 : i32
    %get3A_1175 = arith.index_cast %get3A_1174 : i32 to index
    %get3A_1176 = arith.constant 48 : index
    %get3A_1177 = tpu.vector_load %arg7[%get3A_1175, %get3A_1176] {strides = array<i32>} : memref<32x128xf32, #tpu.memory_space<vmem>>, vector<1x16xf32>,
    %get3A_1178 = vector.shape_cast %get3A_1177 : vector<1x16xf32> to vector<16xf32>
    %add3A_1179 = arith.addf %add3A_1173, %get3A_1178 : vector<16xf32>
    %get3A_1180 = arith.constant 23 : i32
    %get3A_1181 = arith.index_cast %get3A_1180 : i32 to index
    %get3A_1182 = arith.constant 48 : index
    %get3A_1183 = tpu.vector_load %arg7[%get3A_1181, %get3A_1182] {strides = array<i32>} : memref<32x128xf32, #tpu.memory_space<vmem>>, vector<1x16xf32>,
    %get3A_1184 = vector.shape_cast %get3A_1183 : vector<1x16xf32> to vector<16xf32>
    %add3A_1185 = arith.addf %add3A_1179, %get3A_1184 : vector<16xf32>
    %get3A_1186 = arith.constant 24 : i32
    %get3A_1187 = arith.index_cast %get3A_1186 : i32 to index
    %get3A_1188 = arith.constant 48 : index
    %get3A_1189 = tpu.vector_load %arg7[%get3A_1187, %get3A_1188] {strides = array<i32>} : memref<32x128xf32, #tpu.memory_space<vmem>>, vector<1x16xf32>,
    %get3A_1190 = vector.shape_cast %get3A_1189 : vector<1x16xf32> to vector<16xf32>
    %add3A_1191 = arith.addf %add3A_1185, %get3A_1190 : vector<16xf32>
    %get3A_1192 = arith.constant 25 : i32
    %get3A_1193 = arith.index_cast %get3A_1192 : i32 to index
    %get3A_1194 = arith.constant 48 : index
    %get3A_1195 = tpu.vector_load %arg7[%get3A_1193, %get3A_1194] {strides = array<i32>} : memref<32x128xf32, #tpu.memory_space<vmem>>, vector<1x16xf32>,
    %get3A_1196 = vector.shape_cast %get3A_1195 : vector<1x16xf32> to vector<16xf32>
    %add3A_1197 = arith.addf %add3A_1191, %get3A_1196 : vector<16xf32>
    %get3A_1198 = arith.constant 26 : i32
    %get3A_1199 = arith.index_cast %get3A_1198 : i32 to index
    %get3A_1200 = arith.constant 48 : index
    %get3A_1201 = tpu.vector_load %arg7[%get3A_1199, %get3A_1200] {strides = array<i32>} : memref<32x128xf32, #tpu.memory_space<vmem>>, vector<1x16xf32>,
    %get3A_1202 = vector.shape_cast %get3A_1201 : vector<1x16xf32> to vector<16xf32>
    %add3A_1203 = arith.addf %add3A_1197, %get3A_1202 : vector<16xf32>
    %get3A_1204 = arith.constant 27 : i32
    %get3A_1205 = arith.index_cast %get3A_1204 : i32 to index
    %get3A_1206 = arith.constant 48 : index
    %get3A_1207 = tpu.vector_load %arg7[%get3A_1205, %get3A_1206] {strides = array<i32>} : memref<32x128xf32, #tpu.memory_space<vmem>>, vector<1x16xf32>,
    %get3A_1208 = vector.shape_cast %get3A_1207 : vector<1x16xf32> to vector<16xf32>
    %add3A_1209 = arith.addf %add3A_1203, %get3A_1208 : vector<16xf32>
    %get3A_1210 = arith.constant 28 : i32
    %get3A_1211 = arith.index_cast %get3A_1210 : i32 to index
    %get3A_1212 = arith.constant 48 : index
    %get3A_1213 = tpu.vector_load %arg7[%get3A_1211, %get3A_1212] {strides = array<i32>} : memref<32x128xf32, #tpu.memory_space<vmem>>, vector<1x16xf32>,
    %get3A_1214 = vector.shape_cast %get3A_1213 : vector<1x16xf32> to vector<16xf32>
    %add3A_1215 = arith.addf %add3A_1209, %get3A_1214 : vector<16xf32>
    %get3A_1216 = arith.constant 29 : i32
    %get3A_1217 = arith.index_cast %get3A_1216 : i32 to index
    %get3A_1218 = arith.constant 48 : index
    %get3A_1219 = tpu.vector_load %arg7[%get3A_1217, %get3A_1218] {strides = array<i32>} : memref<32x128xf32, #tpu.memory_space<vmem>>, vector<1x16xf32>,
    %get3A_1220 = vector.shape_cast %get3A_1219 : vector<1x16xf32> to vector<16xf32>
    %add3A_1221 = arith.addf %add3A_1215, %get3A_1220 : vector<16xf32>
    %get3A_1222 = arith.constant 30 : i32
    %get3A_1223 = arith.index_cast %get3A_1222 : i32 to index
    %get3A_1224 = arith.constant 48 : index
    %get3A_1225 = tpu.vector_load %arg7[%get3A_1223, %get3A_1224] {strides = array<i32>} : memref<32x128xf32, #tpu.memory_space<vmem>>, vector<1x16xf32>,
    %get3A_1226 = vector.shape_cast %get3A_1225 : vector<1x16xf32> to vector<16xf32>
    %add3A_1227 = arith.addf %add3A_1221, %get3A_1226 : vector<16xf32>
    %get3A_1228 = arith.constant 31 : i32
    %get3A_1229 = arith.index_cast %get3A_1228 : i32 to index
    %get3A_1230 = arith.constant 48 : index
    %get3A_1231 = tpu.vector_load %arg7[%get3A_1229, %get3A_1230] {strides = array<i32>} : memref<32x128xf32, #tpu.memory_space<vmem>>, vector<1x16xf32>,
    %get3A_1232 = vector.shape_cast %get3A_1231 : vector<1x16xf32> to vector<16xf32>
    %add3A_1233 = arith.addf %add3A_1227, %get3A_1232 : vector<16xf32>
    %swap3A_1234 = arith.constant 1 : i32
    %swap3A_1235 = arith.index_cast %swap3A_1234 : i32 to index
    %swap3A_1236 = arith.constant 48 : index
    %swap3A_1237 = tpu.vector_load %arg8[%swap3A_1235, %swap3A_1236] {strides = array<i32>} : memref<2x128xf32, #tpu.memory_space<vmem>>, vector<1x16xf32>,
    %swap3A_1238 = vector.shape_cast %swap3A_1237 : vector<1x16xf32> to vector<16xf32>
    %swap3A_1239 = vector.shape_cast %add3A_1233 : vector<16xf32> to vector<1x16xf32>
    tpu.vector_store %arg8[%swap3A_1235, %swap3A_1236], %swap3A_1239 {strides = array<i32>} : memref<2x128xf32, #tpu.memory_space<vmem>>, vector<1x16xf32>,
    %get3A_1240 = arith.constant 16 : i32
    %get3A_1241 = arith.index_cast %get3A_1240 : i32 to index
    %get3A_1242 = arith.constant 64 : index
    %get3A_1243 = tpu.vector_load %arg7[%get3A_1241, %get3A_1242] {strides = array<i32>} : memref<32x128xf32, #tpu.memory_space<vmem>>, vector<1x16xf32>,
    %get3A_1244 = vector.shape_cast %get3A_1243 : vector<1x16xf32> to vector<16xf32>
    %get3A_1245 = arith.constant 17 : i32
    %get3A_1246 = arith.index_cast %get3A_1245 : i32 to index
    %get3A_1247 = arith.constant 64 : index
    %get3A_1248 = tpu.vector_load %arg7[%get3A_1246, %get3A_1247] {strides = array<i32>} : memref<32x128xf32, #tpu.memory_space<vmem>>, vector<1x16xf32>,
    %get3A_1249 = vector.shape_cast %get3A_1248 : vector<1x16xf32> to vector<16xf32>
    %add3A_1250 = arith.addf %get3A_1244, %get3A_1249 : vector<16xf32>
    %get3A_1251 = arith.constant 18 : i32
    %get3A_1252 = arith.index_cast %get3A_1251 : i32 to index
    %get3A_1253 = arith.constant 64 : index
    %get3A_1254 = tpu.vector_load %arg7[%get3A_1252, %get3A_1253] {strides = array<i32>} : memref<32x128xf32, #tpu.memory_space<vmem>>, vector<1x16xf32>,
    %get3A_1255 = vector.shape_cast %get3A_1254 : vector<1x16xf32> to vector<16xf32>
    %add3A_1256 = arith.addf %add3A_1250, %get3A_1255 : vector<16xf32>
    %get3A_1257 = arith.constant 19 : i32
    %get3A_1258 = arith.index_cast %get3A_1257 : i32 to index
    %get3A_1259 = arith.constant 64 : index
    %get3A_1260 = tpu.vector_load %arg7[%get3A_1258, %get3A_1259] {strides = array<i32>} : memref<32x128xf32, #tpu.memory_space<vmem>>, vector<1x16xf32>,
    %get3A_1261 = vector.shape_cast %get3A_1260 : vector<1x16xf32> to vector<16xf32>
    %add3A_1262 = arith.addf %add3A_1256, %get3A_1261 : vector<16xf32>
    %get3A_1263 = arith.constant 20 : i32
    %get3A_1264 = arith.index_cast %get3A_1263 : i32 to index
    %get3A_1265 = arith.constant 64 : index
    %get3A_1266 = tpu.vector_load %arg7[%get3A_1264, %get3A_1265] {strides = array<i32>} : memref<32x128xf32, #tpu.memory_space<vmem>>, vector<1x16xf32>,
    %get3A_1267 = vector.shape_cast %get3A_1266 : vector<1x16xf32> to vector<16xf32>
    %add3A_1268 = arith.addf %add3A_1262, %get3A_1267 : vector<16xf32>
    %get3A_1269 = arith.constant 21 : i32
    %get3A_1270 = arith.index_cast %get3A_1269 : i32 to index
    %get3A_1271 = arith.constant 64 : index
    %get3A_1272 = tpu.vector_load %arg7[%get3A_1270, %get3A_1271] {strides = array<i32>} : memref<32x128xf32, #tpu.memory_space<vmem>>, vector<1x16xf32>,
    %get3A_1273 = vector.shape_cast %get3A_1272 : vector<1x16xf32> to vector<16xf32>
    %add3A_1274 = arith.addf %add3A_1268, %get3A_1273 : vector<16xf32>
    %get3A_1275 = arith.constant 22 : i32
    %get3A_1276 = arith.index_cast %get3A_1275 : i32 to index
    %get3A_1277 = arith.constant 64 : index
    %get3A_1278 = tpu.vector_load %arg7[%get3A_1276, %get3A_1277] {strides = array<i32>} : memref<32x128xf32, #tpu.memory_space<vmem>>, vector<1x16xf32>,
    %get3A_1279 = vector.shape_cast %get3A_1278 : vector<1x16xf32> to vector<16xf32>
    %add3A_1280 = arith.addf %add3A_1274, %get3A_1279 : vector<16xf32>
    %get3A_1281 = arith.constant 23 : i32
    %get3A_1282 = arith.index_cast %get3A_1281 : i32 to index
    %get3A_1283 = arith.constant 64 : index
    %get3A_1284 = tpu.vector_load %arg7[%get3A_1282, %get3A_1283] {strides = array<i32>} : memref<32x128xf32, #tpu.memory_space<vmem>>, vector<1x16xf32>,
    %get3A_1285 = vector.shape_cast %get3A_1284 : vector<1x16xf32> to vector<16xf32>
    %add3A_1286 = arith.addf %add3A_1280, %get3A_1285 : vector<16xf32>
    %get3A_1287 = arith.constant 24 : i32
    %get3A_1288 = arith.index_cast %get3A_1287 : i32 to index
    %get3A_1289 = arith.constant 64 : index
    %get3A_1290 = tpu.vector_load %arg7[%get3A_1288, %get3A_1289] {strides = array<i32>} : memref<32x128xf32, #tpu.memory_space<vmem>>, vector<1x16xf32>,
    %get3A_1291 = vector.shape_cast %get3A_1290 : vector<1x16xf32> to vector<16xf32>
    %add3A_1292 = arith.addf %add3A_1286, %get3A_1291 : vector<16xf32>
    %get3A_1293 = arith.constant 25 : i32
    %get3A_1294 = arith.index_cast %get3A_1293 : i32 to index
    %get3A_1295 = arith.constant 64 : index
    %get3A_1296 = tpu.vector_load %arg7[%get3A_1294, %get3A_1295] {strides = array<i32>} : memref<32x128xf32, #tpu.memory_space<vmem>>, vector<1x16xf32>,
    %get3A_1297 = vector.shape_cast %get3A_1296 : vector<1x16xf32> to vector<16xf32>
    %add3A_1298 = arith.addf %add3A_1292, %get3A_1297 : vector<16xf32>
    %get3A_1299 = arith.constant 26 : i32
    %get3A_1300 = arith.index_cast %get3A_1299 : i32 to index
    %get3A_1301 = arith.constant 64 : index
    %get3A_1302 = tpu.vector_load %arg7[%get3A_1300, %get3A_1301] {strides = array<i32>} : memref<32x128xf32, #tpu.memory_space<vmem>>, vector<1x16xf32>,
    %get3A_1303 = vector.shape_cast %get3A_1302 : vector<1x16xf32> to vector<16xf32>
    %add3A_1304 = arith.addf %add3A_1298, %get3A_1303 : vector<16xf32>
    %get3A_1305 = arith.constant 27 : i32
    %get3A_1306 = arith.index_cast %get3A_1305 : i32 to index
    %get3A_1307 = arith.constant 64 : index
    %get3A_1308 = tpu.vector_load %arg7[%get3A_1306, %get3A_1307] {strides = array<i32>} : memref<32x128xf32, #tpu.memory_space<vmem>>, vector<1x16xf32>,
    %get3A_1309 = vector.shape_cast %get3A_1308 : vector<1x16xf32> to vector<16xf32>
    %add3A_1310 = arith.addf %add3A_1304, %get3A_1309 : vector<16xf32>
    %get3A_1311 = arith.constant 28 : i32
    %get3A_1312 = arith.index_cast %get3A_1311 : i32 to index
    %get3A_1313 = arith.constant 64 : index
    %get3A_1314 = tpu.vector_load %arg7[%get3A_1312, %get3A_1313] {strides = array<i32>} : memref<32x128xf32, #tpu.memory_space<vmem>>, vector<1x16xf32>,
    %get3A_1315 = vector.shape_cast %get3A_1314 : vector<1x16xf32> to vector<16xf32>
    %add3A_1316 = arith.addf %add3A_1310, %get3A_1315 : vector<16xf32>
    %get3A_1317 = arith.constant 29 : i32
    %get3A_1318 = arith.index_cast %get3A_1317 : i32 to index
    %get3A_1319 = arith.constant 64 : index
    %get3A_1320 = tpu.vector_load %arg7[%get3A_1318, %get3A_1319] {strides = array<i32>} : memref<32x128xf32, #tpu.memory_space<vmem>>, vector<1x16xf32>,
    %get3A_1321 = vector.shape_cast %get3A_1320 : vector<1x16xf32> to vector<16xf32>
    %add3A_1322 = arith.addf %add3A_1316, %get3A_1321 : vector<16xf32>
    %get3A_1323 = arith.constant 30 : i32
    %get3A_1324 = arith.index_cast %get3A_1323 : i32 to index
    %get3A_1325 = arith.constant 64 : index
    %get3A_1326 = tpu.vector_load %arg7[%get3A_1324, %get3A_1325] {strides = array<i32>} : memref<32x128xf32, #tpu.memory_space<vmem>>, vector<1x16xf32>,
    %get3A_1327 = vector.shape_cast %get3A_1326 : vector<1x16xf32> to vector<16xf32>
    %add3A_1328 = arith.addf %add3A_1322, %get3A_1327 : vector<16xf32>
    %get3A_1329 = arith.constant 31 : i32
    %get3A_1330 = arith.index_cast %get3A_1329 : i32 to index
    %get3A_1331 = arith.constant 64 : index
    %get3A_1332 = tpu.vector_load %arg7[%get3A_1330, %get3A_1331] {strides = array<i32>} : memref<32x128xf32, #tpu.memory_space<vmem>>, vector<1x16xf32>,
    %get3A_1333 = vector.shape_cast %get3A_1332 : vector<1x16xf32> to vector<16xf32>
    %add3A_1334 = arith.addf %add3A_1328, %get3A_1333 : vector<16xf32>
    %swap3A_1335 = arith.constant 1 : i32
    %swap3A_1336 = arith.index_cast %swap3A_1335 : i32 to index
    %swap3A_1337 = arith.constant 64 : index
    %swap3A_1338 = tpu.vector_load %arg8[%swap3A_1336, %swap3A_1337] {strides = array<i32>} : memref<2x128xf32, #tpu.memory_space<vmem>>, vector<1x16xf32>,
    %swap3A_1339 = vector.shape_cast %swap3A_1338 : vector<1x16xf32> to vector<16xf32>
    %swap3A_1340 = vector.shape_cast %add3A_1334 : vector<16xf32> to vector<1x16xf32>
    tpu.vector_store %arg8[%swap3A_1336, %swap3A_1337], %swap3A_1340 {strides = array<i32>} : memref<2x128xf32, #tpu.memory_space<vmem>>, vector<1x16xf32>,
    %get3A_1341 = arith.constant 16 : i32
    %get3A_1342 = arith.index_cast %get3A_1341 : i32 to index
    %get3A_1343 = arith.constant 80 : index
    %get3A_1344 = tpu.vector_load %arg7[%get3A_1342, %get3A_1343] {strides = array<i32>} : memref<32x128xf32, #tpu.memory_space<vmem>>, vector<1x16xf32>,
    %get3A_1345 = vector.shape_cast %get3A_1344 : vector<1x16xf32> to vector<16xf32>
    %get3A_1346 = arith.constant 17 : i32
    %get3A_1347 = arith.index_cast %get3A_1346 : i32 to index
    %get3A_1348 = arith.constant 80 : index
    %get3A_1349 = tpu.vector_load %arg7[%get3A_1347, %get3A_1348] {strides = array<i32>} : memref<32x128xf32, #tpu.memory_space<vmem>>, vector<1x16xf32>,
    %get3A_1350 = vector.shape_cast %get3A_1349 : vector<1x16xf32> to vector<16xf32>
    %add3A_1351 = arith.addf %get3A_1345, %get3A_1350 : vector<16xf32>
    %get3A_1352 = arith.constant 18 : i32
    %get3A_1353 = arith.index_cast %get3A_1352 : i32 to index
    %get3A_1354 = arith.constant 80 : index
    %get3A_1355 = tpu.vector_load %arg7[%get3A_1353, %get3A_1354] {strides = array<i32>} : memref<32x128xf32, #tpu.memory_space<vmem>>, vector<1x16xf32>,
    %get3A_1356 = vector.shape_cast %get3A_1355 : vector<1x16xf32> to vector<16xf32>
    %add3A_1357 = arith.addf %add3A_1351, %get3A_1356 : vector<16xf32>
    %get3A_1358 = arith.constant 19 : i32
    %get3A_1359 = arith.index_cast %get3A_1358 : i32 to index
    %get3A_1360 = arith.constant 80 : index
    %get3A_1361 = tpu.vector_load %arg7[%get3A_1359, %get3A_1360] {strides = array<i32>} : memref<32x128xf32, #tpu.memory_space<vmem>>, vector<1x16xf32>,
    %get3A_1362 = vector.shape_cast %get3A_1361 : vector<1x16xf32> to vector<16xf32>
    %add3A_1363 = arith.addf %add3A_1357, %get3A_1362 : vector<16xf32>
    %get3A_1364 = arith.constant 20 : i32
    %get3A_1365 = arith.index_cast %get3A_1364 : i32 to index
    %get3A_1366 = arith.constant 80 : index
    %get3A_1367 = tpu.vector_load %arg7[%get3A_1365, %get3A_1366] {strides = array<i32>} : memref<32x128xf32, #tpu.memory_space<vmem>>, vector<1x16xf32>,
    %get3A_1368 = vector.shape_cast %get3A_1367 : vector<1x16xf32> to vector<16xf32>
    %add3A_1369 = arith.addf %add3A_1363, %get3A_1368 : vector<16xf32>
    %get3A_1370 = arith.constant 21 : i32
    %get3A_1371 = arith.index_cast %get3A_1370 : i32 to index
    %get3A_1372 = arith.constant 80 : index
    %get3A_1373 = tpu.vector_load %arg7[%get3A_1371, %get3A_1372] {strides = array<i32>} : memref<32x128xf32, #tpu.memory_space<vmem>>, vector<1x16xf32>,
    %get3A_1374 = vector.shape_cast %get3A_1373 : vector<1x16xf32> to vector<16xf32>
    %add3A_1375 = arith.addf %add3A_1369, %get3A_1374 : vector<16xf32>
    %get3A_1376 = arith.constant 22 : i32
    %get3A_1377 = arith.index_cast %get3A_1376 : i32 to index
    %get3A_1378 = arith.constant 80 : index
    %get3A_1379 = tpu.vector_load %arg7[%get3A_1377, %get3A_1378] {strides = array<i32>} : memref<32x128xf32, #tpu.memory_space<vmem>>, vector<1x16xf32>,
    %get3A_1380 = vector.shape_cast %get3A_1379 : vector<1x16xf32> to vector<16xf32>
    %add3A_1381 = arith.addf %add3A_1375, %get3A_1380 : vector<16xf32>
    %get3A_1382 = arith.constant 23 : i32
    %get3A_1383 = arith.index_cast %get3A_1382 : i32 to index
    %get3A_1384 = arith.constant 80 : index
    %get3A_1385 = tpu.vector_load %arg7[%get3A_1383, %get3A_1384] {strides = array<i32>} : memref<32x128xf32, #tpu.memory_space<vmem>>, vector<1x16xf32>,
    %get3A_1386 = vector.shape_cast %get3A_1385 : vector<1x16xf32> to vector<16xf32>
    %add3A_1387 = arith.addf %add3A_1381, %get3A_1386 : vector<16xf32>
    %get3A_1388 = arith.constant 24 : i32
    %get3A_1389 = arith.index_cast %get3A_1388 : i32 to index
    %get3A_1390 = arith.constant 80 : index
    %get3A_1391 = tpu.vector_load %arg7[%get3A_1389, %get3A_1390] {strides = array<i32>} : memref<32x128xf32, #tpu.memory_space<vmem>>, vector<1x16xf32>,
    %get3A_1392 = vector.shape_cast %get3A_1391 : vector<1x16xf32> to vector<16xf32>
    %add3A_1393 = arith.addf %add3A_1387, %get3A_1392 : vector<16xf32>
    %get3A_1394 = arith.constant 25 : i32
    %get3A_1395 = arith.index_cast %get3A_1394 : i32 to index
    %get3A_1396 = arith.constant 80 : index
    %get3A_1397 = tpu.vector_load %arg7[%get3A_1395, %get3A_1396] {strides = array<i32>} : memref<32x128xf32, #tpu.memory_space<vmem>>, vector<1x16xf32>,
    %get3A_1398 = vector.shape_cast %get3A_1397 : vector<1x16xf32> to vector<16xf32>
    %add3A_1399 = arith.addf %add3A_1393, %get3A_1398 : vector<16xf32>
    %get3A_1400 = arith.constant 26 : i32
    %get3A_1401 = arith.index_cast %get3A_1400 : i32 to index
    %get3A_1402 = arith.constant 80 : index
    %get3A_1403 = tpu.vector_load %arg7[%get3A_1401, %get3A_1402] {strides = array<i32>} : memref<32x128xf32, #tpu.memory_space<vmem>>, vector<1x16xf32>,
    %get3A_1404 = vector.shape_cast %get3A_1403 : vector<1x16xf32> to vector<16xf32>
    %add3A_1405 = arith.addf %add3A_1399, %get3A_1404 : vector<16xf32>
    %get3A_1406 = arith.constant 27 : i32
    %get3A_1407 = arith.index_cast %get3A_1406 : i32 to index
    %get3A_1408 = arith.constant 80 : index
    %get3A_1409 = tpu.vector_load %arg7[%get3A_1407, %get3A_1408] {strides = array<i32>} : memref<32x128xf32, #tpu.memory_space<vmem>>, vector<1x16xf32>,
    %get3A_1410 = vector.shape_cast %get3A_1409 : vector<1x16xf32> to vector<16xf32>
    %add3A_1411 = arith.addf %add3A_1405, %get3A_1410 : vector<16xf32>
    %get3A_1412 = arith.constant 28 : i32
    %get3A_1413 = arith.index_cast %get3A_1412 : i32 to index
    %get3A_1414 = arith.constant 80 : index
    %get3A_1415 = tpu.vector_load %arg7[%get3A_1413, %get3A_1414] {strides = array<i32>} : memref<32x128xf32, #tpu.memory_space<vmem>>, vector<1x16xf32>,
    %get3A_1416 = vector.shape_cast %get3A_1415 : vector<1x16xf32> to vector<16xf32>
    %add3A_1417 = arith.addf %add3A_1411, %get3A_1416 : vector<16xf32>
    %get3A_1418 = arith.constant 29 : i32
    %get3A_1419 = arith.index_cast %get3A_1418 : i32 to index
    %get3A_1420 = arith.constant 80 : index
    %get3A_1421 = tpu.vector_load %arg7[%get3A_1419, %get3A_1420] {strides = array<i32>} : memref<32x128xf32, #tpu.memory_space<vmem>>, vector<1x16xf32>,
    %get3A_1422 = vector.shape_cast %get3A_1421 : vector<1x16xf32> to vector<16xf32>
    %add3A_1423 = arith.addf %add3A_1417, %get3A_1422 : vector<16xf32>
    %get3A_1424 = arith.constant 30 : i32
    %get3A_1425 = arith.index_cast %get3A_1424 : i32 to index
    %get3A_1426 = arith.constant 80 : index
    %get3A_1427 = tpu.vector_load %arg7[%get3A_1425, %get3A_1426] {strides = array<i32>} : memref<32x128xf32, #tpu.memory_space<vmem>>, vector<1x16xf32>,
    %get3A_1428 = vector.shape_cast %get3A_1427 : vector<1x16xf32> to vector<16xf32>
    %add3A_1429 = arith.addf %add3A_1423, %get3A_1428 : vector<16xf32>
    %get3A_1430 = arith.constant 31 : i32
    %get3A_1431 = arith.index_cast %get3A_1430 : i32 to index
    %get3A_1432 = arith.constant 80 : index
    %get3A_1433 = tpu.vector_load %arg7[%get3A_1431, %get3A_1432] {strides = array<i32>} : memref<32x128xf32, #tpu.memory_space<vmem>>, vector<1x16xf32>,
    %get3A_1434 = vector.shape_cast %get3A_1433 : vector<1x16xf32> to vector<16xf32>
    %add3A_1435 = arith.addf %add3A_1429, %get3A_1434 : vector<16xf32>
    %swap3A_1436 = arith.constant 1 : i32
    %swap3A_1437 = arith.index_cast %swap3A_1436 : i32 to index
    %swap3A_1438 = arith.constant 80 : index
    %swap3A_1439 = tpu.vector_load %arg8[%swap3A_1437, %swap3A_1438] {strides = array<i32>} : memref<2x128xf32, #tpu.memory_space<vmem>>, vector<1x16xf32>,
    %swap3A_1440 = vector.shape_cast %swap3A_1439 : vector<1x16xf32> to vector<16xf32>
    %swap3A_1441 = vector.shape_cast %add3A_1435 : vector<16xf32> to vector<1x16xf32>
    tpu.vector_store %arg8[%swap3A_1437, %swap3A_1438], %swap3A_1441 {strides = array<i32>} : memref<2x128xf32, #tpu.memory_space<vmem>>, vector<1x16xf32>,
    %get3A_1442 = arith.constant 16 : i32
    %get3A_1443 = arith.index_cast %get3A_1442 : i32 to index
    %get3A_1444 = arith.constant 96 : index
    %get3A_1445 = tpu.vector_load %arg7[%get3A_1443, %get3A_1444] {strides = array<i32>} : memref<32x128xf32, #tpu.memory_space<vmem>>, vector<1x16xf32>,
    %get3A_1446 = vector.shape_cast %get3A_1445 : vector<1x16xf32> to vector<16xf32>
    %get3A_1447 = arith.constant 17 : i32
    %get3A_1448 = arith.index_cast %get3A_1447 : i32 to index
    %get3A_1449 = arith.constant 96 : index
    %get3A_1450 = tpu.vector_load %arg7[%get3A_1448, %get3A_1449] {strides = array<i32>} : memref<32x128xf32, #tpu.memory_space<vmem>>, vector<1x16xf32>,
    %get3A_1451 = vector.shape_cast %get3A_1450 : vector<1x16xf32> to vector<16xf32>
    %add3A_1452 = arith.addf %get3A_1446, %get3A_1451 : vector<16xf32>
    %get3A_1453 = arith.constant 18 : i32
    %get3A_1454 = arith.index_cast %get3A_1453 : i32 to index
    %get3A_1455 = arith.constant 96 : index
    %get3A_1456 = tpu.vector_load %arg7[%get3A_1454, %get3A_1455] {strides = array<i32>} : memref<32x128xf32, #tpu.memory_space<vmem>>, vector<1x16xf32>,
    %get3A_1457 = vector.shape_cast %get3A_1456 : vector<1x16xf32> to vector<16xf32>
    %add3A_1458 = arith.addf %add3A_1452, %get3A_1457 : vector<16xf32>
    %get3A_1459 = arith.constant 19 : i32
    %get3A_1460 = arith.index_cast %get3A_1459 : i32 to index
    %get3A_1461 = arith.constant 96 : index
    %get3A_1462 = tpu.vector_load %arg7[%get3A_1460, %get3A_1461] {strides = array<i32>} : memref<32x128xf32, #tpu.memory_space<vmem>>, vector<1x16xf32>,
    %get3A_1463 = vector.shape_cast %get3A_1462 : vector<1x16xf32> to vector<16xf32>
    %add3A_1464 = arith.addf %add3A_1458, %get3A_1463 : vector<16xf32>
    %get3A_1465 = arith.constant 20 : i32
    %get3A_1466 = arith.index_cast %get3A_1465 : i32 to index
    %get3A_1467 = arith.constant 96 : index
    %get3A_1468 = tpu.vector_load %arg7[%get3A_1466, %get3A_1467] {strides = array<i32>} : memref<32x128xf32, #tpu.memory_space<vmem>>, vector<1x16xf32>,
    %get3A_1469 = vector.shape_cast %get3A_1468 : vector<1x16xf32> to vector<16xf32>
    %add3A_1470 = arith.addf %add3A_1464, %get3A_1469 : vector<16xf32>
    %get3A_1471 = arith.constant 21 : i32
    %get3A_1472 = arith.index_cast %get3A_1471 : i32 to index
    %get3A_1473 = arith.constant 96 : index
    %get3A_1474 = tpu.vector_load %arg7[%get3A_1472, %get3A_1473] {strides = array<i32>} : memref<32x128xf32, #tpu.memory_space<vmem>>, vector<1x16xf32>,
    %get3A_1475 = vector.shape_cast %get3A_1474 : vector<1x16xf32> to vector<16xf32>
    %add3A_1476 = arith.addf %add3A_1470, %get3A_1475 : vector<16xf32>
    %get3A_1477 = arith.constant 22 : i32
    %get3A_1478 = arith.index_cast %get3A_1477 : i32 to index
    %get3A_1479 = arith.constant 96 : index
    %get3A_1480 = tpu.vector_load %arg7[%get3A_1478, %get3A_1479] {strides = array<i32>} : memref<32x128xf32, #tpu.memory_space<vmem>>, vector<1x16xf32>,
    %get3A_1481 = vector.shape_cast %get3A_1480 : vector<1x16xf32> to vector<16xf32>
    %add3A_1482 = arith.addf %add3A_1476, %get3A_1481 : vector<16xf32>
    %get3A_1483 = arith.constant 23 : i32
    %get3A_1484 = arith.index_cast %get3A_1483 : i32 to index
    %get3A_1485 = arith.constant 96 : index
    %get3A_1486 = tpu.vector_load %arg7[%get3A_1484, %get3A_1485] {strides = array<i32>} : memref<32x128xf32, #tpu.memory_space<vmem>>, vector<1x16xf32>,
    %get3A_1487 = vector.shape_cast %get3A_1486 : vector<1x16xf32> to vector<16xf32>
    %add3A_1488 = arith.addf %add3A_1482, %get3A_1487 : vector<16xf32>
    %get3A_1489 = arith.constant 24 : i32
    %get3A_1490 = arith.index_cast %get3A_1489 : i32 to index
    %get3A_1491 = arith.constant 96 : index
    %get3A_1492 = tpu.vector_load %arg7[%get3A_1490, %get3A_1491] {strides = array<i32>} : memref<32x128xf32, #tpu.memory_space<vmem>>, vector<1x16xf32>,
    %get3A_1493 = vector.shape_cast %get3A_1492 : vector<1x16xf32> to vector<16xf32>
    %add3A_1494 = arith.addf %add3A_1488, %get3A_1493 : vector<16xf32>
    %get3A_1495 = arith.constant 25 : i32
    %get3A_1496 = arith.index_cast %get3A_1495 : i32 to index
    %get3A_1497 = arith.constant 96 : index
    %get3A_1498 = tpu.vector_load %arg7[%get3A_1496, %get3A_1497] {strides = array<i32>} : memref<32x128xf32, #tpu.memory_space<vmem>>, vector<1x16xf32>,
    %get3A_1499 = vector.shape_cast %get3A_1498 : vector<1x16xf32> to vector<16xf32>
    %add3A_1500 = arith.addf %add3A_1494, %get3A_1499 : vector<16xf32>
    %get3A_1501 = arith.constant 26 : i32
    %get3A_1502 = arith.index_cast %get3A_1501 : i32 to index
    %get3A_1503 = arith.constant 96 : index
    %get3A_1504 = tpu.vector_load %arg7[%get3A_1502, %get3A_1503] {strides = array<i32>} : memref<32x128xf32, #tpu.memory_space<vmem>>, vector<1x16xf32>,
    %get3A_1505 = vector.shape_cast %get3A_1504 : vector<1x16xf32> to vector<16xf32>
    %add3A_1506 = arith.addf %add3A_1500, %get3A_1505 : vector<16xf32>
    %get3A_1507 = arith.constant 27 : i32
    %get3A_1508 = arith.index_cast %get3A_1507 : i32 to index
    %get3A_1509 = arith.constant 96 : index
    %get3A_1510 = tpu.vector_load %arg7[%get3A_1508, %get3A_1509] {strides = array<i32>} : memref<32x128xf32, #tpu.memory_space<vmem>>, vector<1x16xf32>,
    %get3A_1511 = vector.shape_cast %get3A_1510 : vector<1x16xf32> to vector<16xf32>
    %add3A_1512 = arith.addf %add3A_1506, %get3A_1511 : vector<16xf32>
    %get3A_1513 = arith.constant 28 : i32
    %get3A_1514 = arith.index_cast %get3A_1513 : i32 to index
    %get3A_1515 = arith.constant 96 : index
    %get3A_1516 = tpu.vector_load %arg7[%get3A_1514, %get3A_1515] {strides = array<i32>} : memref<32x128xf32, #tpu.memory_space<vmem>>, vector<1x16xf32>,
    %get3A_1517 = vector.shape_cast %get3A_1516 : vector<1x16xf32> to vector<16xf32>
    %add3A_1518 = arith.addf %add3A_1512, %get3A_1517 : vector<16xf32>
    %get3A_1519 = arith.constant 29 : i32
    %get3A_1520 = arith.index_cast %get3A_1519 : i32 to index
    %get3A_1521 = arith.constant 96 : index
    %get3A_1522 = tpu.vector_load %arg7[%get3A_1520, %get3A_1521] {strides = array<i32>} : memref<32x128xf32, #tpu.memory_space<vmem>>, vector<1x16xf32>,
    %get3A_1523 = vector.shape_cast %get3A_1522 : vector<1x16xf32> to vector<16xf32>
    %add3A_1524 = arith.addf %add3A_1518, %get3A_1523 : vector<16xf32>
    %get3A_1525 = arith.constant 30 : i32
    %get3A_1526 = arith.index_cast %get3A_1525 : i32 to index
    %get3A_1527 = arith.constant 96 : index
    %get3A_1528 = tpu.vector_load %arg7[%get3A_1526, %get3A_1527] {strides = array<i32>} : memref<32x128xf32, #tpu.memory_space<vmem>>, vector<1x16xf32>,
    %get3A_1529 = vector.shape_cast %get3A_1528 : vector<1x16xf32> to vector<16xf32>
    %add3A_1530 = arith.addf %add3A_1524, %get3A_1529 : vector<16xf32>
    %get3A_1531 = arith.constant 31 : i32
    %get3A_1532 = arith.index_cast %get3A_1531 : i32 to index
    %get3A_1533 = arith.constant 96 : index
    %get3A_1534 = tpu.vector_load %arg7[%get3A_1532, %get3A_1533] {strides = array<i32>} : memref<32x128xf32, #tpu.memory_space<vmem>>, vector<1x16xf32>,
    %get3A_1535 = vector.shape_cast %get3A_1534 : vector<1x16xf32> to vector<16xf32>
    %add3A_1536 = arith.addf %add3A_1530, %get3A_1535 : vector<16xf32>
    %swap3A_1537 = arith.constant 1 : i32
    %swap3A_1538 = arith.index_cast %swap3A_1537 : i32 to index
    %swap3A_1539 = arith.constant 96 : index
    %swap3A_1540 = tpu.vector_load %arg8[%swap3A_1538, %swap3A_1539] {strides = array<i32>} : memref<2x128xf32, #tpu.memory_space<vmem>>, vector<1x16xf32>,
    %swap3A_1541 = vector.shape_cast %swap3A_1540 : vector<1x16xf32> to vector<16xf32>
    %swap3A_1542 = vector.shape_cast %add3A_1536 : vector<16xf32> to vector<1x16xf32>
    tpu.vector_store %arg8[%swap3A_1538, %swap3A_1539], %swap3A_1542 {strides = array<i32>} : memref<2x128xf32, #tpu.memory_space<vmem>>, vector<1x16xf32>,
    %get3A_1543 = arith.constant 16 : i32
    %get3A_1544 = arith.index_cast %get3A_1543 : i32 to index
    %get3A_1545 = arith.constant 112 : index
    %get3A_1546 = tpu.vector_load %arg7[%get3A_1544, %get3A_1545] {strides = array<i32>} : memref<32x128xf32, #tpu.memory_space<vmem>>, vector<1x16xf32>,
    %get3A_1547 = vector.shape_cast %get3A_1546 : vector<1x16xf32> to vector<16xf32>
    %get3A_1548 = arith.constant 17 : i32
    %get3A_1549 = arith.index_cast %get3A_1548 : i32 to index
    %get3A_1550 = arith.constant 112 : index
    %get3A_1551 = tpu.vector_load %arg7[%get3A_1549, %get3A_1550] {strides = array<i32>} : memref<32x128xf32, #tpu.memory_space<vmem>>, vector<1x16xf32>,
    %get3A_1552 = vector.shape_cast %get3A_1551 : vector<1x16xf32> to vector<16xf32>
    %add3A_1553 = arith.addf %get3A_1547, %get3A_1552 : vector<16xf32>
    %get3A_1554 = arith.constant 18 : i32
    %get3A_1555 = arith.index_cast %get3A_1554 : i32 to index
    %get3A_1556 = arith.constant 112 : index
    %get3A_1557 = tpu.vector_load %arg7[%get3A_1555, %get3A_1556] {strides = array<i32>} : memref<32x128xf32, #tpu.memory_space<vmem>>, vector<1x16xf32>,
    %get3A_1558 = vector.shape_cast %get3A_1557 : vector<1x16xf32> to vector<16xf32>
    %add3A_1559 = arith.addf %add3A_1553, %get3A_1558 : vector<16xf32>
    %get3A_1560 = arith.constant 19 : i32
    %get3A_1561 = arith.index_cast %get3A_1560 : i32 to index
    %get3A_1562 = arith.constant 112 : index
    %get3A_1563 = tpu.vector_load %arg7[%get3A_1561, %get3A_1562] {strides = array<i32>} : memref<32x128xf32, #tpu.memory_space<vmem>>, vector<1x16xf32>,
    %get3A_1564 = vector.shape_cast %get3A_1563 : vector<1x16xf32> to vector<16xf32>
    %add3A_1565 = arith.addf %add3A_1559, %get3A_1564 : vector<16xf32>
    %get3A_1566 = arith.constant 20 : i32
    %get3A_1567 = arith.index_cast %get3A_1566 : i32 to index
    %get3A_1568 = arith.constant 112 : index
    %get3A_1569 = tpu.vector_load %arg7[%get3A_1567, %get3A_1568] {strides = array<i32>} : memref<32x128xf32, #tpu.memory_space<vmem>>, vector<1x16xf32>,
    %get3A_1570 = vector.shape_cast %get3A_1569 : vector<1x16xf32> to vector<16xf32>
    %add3A_1571 = arith.addf %add3A_1565, %get3A_1570 : vector<16xf32>
    %get3A_1572 = arith.constant 21 : i32
    %get3A_1573 = arith.index_cast %get3A_1572 : i32 to index
    %get3A_1574 = arith.constant 112 : index
    %get3A_1575 = tpu.vector_load %arg7[%get3A_1573, %get3A_1574] {strides = array<i32>} : memref<32x128xf32, #tpu.memory_space<vmem>>, vector<1x16xf32>,
    %get3A_1576 = vector.shape_cast %get3A_1575 : vector<1x16xf32> to vector<16xf32>
    %add3A_1577 = arith.addf %add3A_1571, %get3A_1576 : vector<16xf32>
    %get3A_1578 = arith.constant 22 : i32
    %get3A_1579 = arith.index_cast %get3A_1578 : i32 to index
    %get3A_1580 = arith.constant 112 : index
    %get3A_1581 = tpu.vector_load %arg7[%get3A_1579, %get3A_1580] {strides = array<i32>} : memref<32x128xf32, #tpu.memory_space<vmem>>, vector<1x16xf32>,
    %get3A_1582 = vector.shape_cast %get3A_1581 : vector<1x16xf32> to vector<16xf32>
    %add3A_1583 = arith.addf %add3A_1577, %get3A_1582 : vector<16xf32>
    %get3A_1584 = arith.constant 23 : i32
    %get3A_1585 = arith.index_cast %get3A_1584 : i32 to index
    %get3A_1586 = arith.constant 112 : index
    %get3A_1587 = tpu.vector_load %arg7[%get3A_1585, %get3A_1586] {strides = array<i32>} : memref<32x128xf32, #tpu.memory_space<vmem>>, vector<1x16xf32>,
    %get3A_1588 = vector.shape_cast %get3A_1587 : vector<1x16xf32> to vector<16xf32>
    %add3A_1589 = arith.addf %add3A_1583, %get3A_1588 : vector<16xf32>
    %get3A_1590 = arith.constant 24 : i32
    %get3A_1591 = arith.index_cast %get3A_1590 : i32 to index
    %get3A_1592 = arith.constant 112 : index
    %get3A_1593 = tpu.vector_load %arg7[%get3A_1591, %get3A_1592] {strides = array<i32>} : memref<32x128xf32, #tpu.memory_space<vmem>>, vector<1x16xf32>,
    %get3A_1594 = vector.shape_cast %get3A_1593 : vector<1x16xf32> to vector<16xf32>
    %add3A_1595 = arith.addf %add3A_1589, %get3A_1594 : vector<16xf32>
    %get3A_1596 = arith.constant 25 : i32
    %get3A_1597 = arith.index_cast %get3A_1596 : i32 to index
    %get3A_1598 = arith.constant 112 : index
    %get3A_1599 = tpu.vector_load %arg7[%get3A_1597, %get3A_1598] {strides = array<i32>} : memref<32x128xf32, #tpu.memory_space<vmem>>, vector<1x16xf32>,
    %get3A_1600 = vector.shape_cast %get3A_1599 : vector<1x16xf32> to vector<16xf32>
    %add3A_1601 = arith.addf %add3A_1595, %get3A_1600 : vector<16xf32>
    %get3A_1602 = arith.constant 26 : i32
    %get3A_1603 = arith.index_cast %get3A_1602 : i32 to index
    %get3A_1604 = arith.constant 112 : index
    %get3A_1605 = tpu.vector_load %arg7[%get3A_1603, %get3A_1604] {strides = array<i32>} : memref<32x128xf32, #tpu.memory_space<vmem>>, vector<1x16xf32>,
    %get3A_1606 = vector.shape_cast %get3A_1605 : vector<1x16xf32> to vector<16xf32>
    %add3A_1607 = arith.addf %add3A_1601, %get3A_1606 : vector<16xf32>
    %get3A_1608 = arith.constant 27 : i32
    %get3A_1609 = arith.index_cast %get3A_1608 : i32 to index
    %get3A_1610 = arith.constant 112 : index
    %get3A_1611 = tpu.vector_load %arg7[%get3A_1609, %get3A_1610] {strides = array<i32>} : memref<32x128xf32, #tpu.memory_space<vmem>>, vector<1x16xf32>,
    %get3A_1612 = vector.shape_cast %get3A_1611 : vector<1x16xf32> to vector<16xf32>
    %add3A_1613 = arith.addf %add3A_1607, %get3A_1612 : vector<16xf32>
    %get3A_1614 = arith.constant 28 : i32
    %get3A_1615 = arith.index_cast %get3A_1614 : i32 to index
    %get3A_1616 = arith.constant 112 : index
    %get3A_1617 = tpu.vector_load %arg7[%get3A_1615, %get3A_1616] {strides = array<i32>} : memref<32x128xf32, #tpu.memory_space<vmem>>, vector<1x16xf32>,
    %get3A_1618 = vector.shape_cast %get3A_1617 : vector<1x16xf32> to vector<16xf32>
    %add3A_1619 = arith.addf %add3A_1613, %get3A_1618 : vector<16xf32>
    %get3A_1620 = arith.constant 29 : i32
    %get3A_1621 = arith.index_cast %get3A_1620 : i32 to index
    %get3A_1622 = arith.constant 112 : index
    %get3A_1623 = tpu.vector_load %arg7[%get3A_1621, %get3A_1622] {strides = array<i32>} : memref<32x128xf32, #tpu.memory_space<vmem>>, vector<1x16xf32>,
    %get3A_1624 = vector.shape_cast %get3A_1623 : vector<1x16xf32> to vector<16xf32>
    %add3A_1625 = arith.addf %add3A_1619, %get3A_1624 : vector<16xf32>
    %get3A_1626 = arith.constant 30 : i32
    %get3A_1627 = arith.index_cast %get3A_1626 : i32 to index
    %get3A_1628 = arith.constant 112 : index
    %get3A_1629 = tpu.vector_load %arg7[%get3A_1627, %get3A_1628] {strides = array<i32>} : memref<32x128xf32, #tpu.memory_space<vmem>>, vector<1x16xf32>,
    %get3A_1630 = vector.shape_cast %get3A_1629 : vector<1x16xf32> to vector<16xf32>
    %add3A_1631 = arith.addf %add3A_1625, %get3A_1630 : vector<16xf32>
    %get3A_1632 = arith.constant 31 : i32
    %get3A_1633 = arith.index_cast %get3A_1632 : i32 to index
    %get3A_1634 = arith.constant 112 : index
    %get3A_1635 = tpu.vector_load %arg7[%get3A_1633, %get3A_1634] {strides = array<i32>} : memref<32x128xf32, #tpu.memory_space<vmem>>, vector<1x16xf32>,
    %get3A_1636 = vector.shape_cast %get3A_1635 : vector<1x16xf32> to vector<16xf32>
    %add3A_1637 = arith.addf %add3A_1631, %get3A_1636 : vector<16xf32>
    %swap3A_1638 = arith.constant 1 : i32
    %swap3A_1639 = arith.index_cast %swap3A_1638 : i32 to index
    %swap3A_1640 = arith.constant 112 : index
    %swap3A_1641 = tpu.vector_load %arg8[%swap3A_1639, %swap3A_1640] {strides = array<i32>} : memref<2x128xf32, #tpu.memory_space<vmem>>, vector<1x16xf32>,
    %swap3A_1642 = vector.shape_cast %swap3A_1641 : vector<1x16xf32> to vector<16xf32>
    %swap3A_1643 = vector.shape_cast %add3A_1637 : vector<16xf32> to vector<1x16xf32>
    tpu.vector_store %arg8[%swap3A_1639, %swap3A_1640], %swap3A_1643 {strides = array<i32>} : memref<2x128xf32, #tpu.memory_space<vmem>>, vector<1x16xf32>,
    "tpu.region"() ({
      %run_scoped3A = tpu.sem_alloc : memref<!tpu.dma_semaphore, #tpu.memory_space<semaphore_mem>>
      %dma_start3A_1644 = arith.constant 0 : i32
      %dma_start3A_1645 = tpu.memref_slice %arg4[%mul3A_2, %dma_start3A_1644] : memref<64x128xf32, #tpu.memory_space<hbm>> -> memref<2x128xf32, #tpu.memory_space<hbm>>
      %dma_start3A_1646 = arith.constant 0 : i32
      %dma_start3A_1647 = tpu.memref_slice %arg4[%mul3A_2, %dma_start3A_1646] : memref<64x128xf32, #tpu.memory_space<hbm>> -> memref<2x128xf32, #tpu.memory_space<hbm>>
      tpu.enqueue_dma source(%arg8 : memref<2x128xf32, #tpu.memory_space<vmem>>) target(%dma_start3A_1647 : memref<2x128xf32, #tpu.memory_space<hbm>>) target_semaphore(%run_scoped3A : memref<!tpu.dma_semaphore, #tpu.memory_space<semaphore_mem>>)
      %dma_wait3A_1648 = arith.constant 0 : i32
      %dma_wait3A_1649 = tpu.memref_slice %arg4[%mul3A_2, %dma_wait3A_1648] : memref<64x128xf32, #tpu.memory_space<hbm>> -> memref<2x128xf32, #tpu.memory_space<hbm>>
      %dma_wait3A_1650 = arith.constant 0 : i32
      %dma_wait3A_1651 = tpu.memref_slice %arg4[%mul3A_2, %dma_wait3A_1650] : memref<64x128xf32, #tpu.memory_space<hbm>> -> memref<2x128xf32, #tpu.memory_space<hbm>>
      tpu.wait_dma2 semaphore(%run_scoped3A : memref<!tpu.dma_semaphore, #tpu.memory_space<semaphore_mem>>) src(%arg8 : memref<2x128xf32, #tpu.memory_space<vmem>>) dst(%dma_wait3A_1651 : memref<2x128xf32, #tpu.memory_space<hbm>>)
      tpu.yield
    }) : () -> ()
    return
  }
}

module attributes {stable_mosaic.version = 14 : i64} {
  func.func @_add_body(%arg0: i32, %arg1: memref<2x128x8192xf32, #tpu.memory_space<vmem>>, %arg2: memref<64x128xf32, #tpu.memory_space<vmem>>, %arg3: memref<2x128x8192xf32, #tpu.memory_space<vmem>>) attributes {dimension_semantics = [#tpu.dimension_semantics<parallel>], iteration_bounds = array<i64: 32>, scalar_prefetch = 0 : i64, scratch_operands = 0 : i64, tpu.core_type = #tpu.core_type<tc>, window_params = [{transform_indices = @transform_0, window_bounds = array<i64: 2, 128, 8192>}, {pipeline_mode = #tpu.pipeline_mode<synchronous>, transform_indices = @transform_1, window_bounds = array<i64: 64, 128>}, {transform_indices = @transform_2, window_bounds = array<i64: 2, 128, 8192>}]} {
    %get3A = arith.constant 0 : index
    %get3A_0 = arith.constant 0 : index
    %get3A_1 = arith.constant 0 : index
    %get3A_2 = vector.load %arg1[%get3A, %get3A_0, %get3A_1] : memref<2x128x8192xf32, #tpu.memory_space<vmem>>, vector<2x128x8192xf32>
    %mul3A = arith.constant 2 : i32
    %mul3A_3 = arith.muli %arg0, %mul3A : i32
    %get3A_4 = arith.index_cast %mul3A_3 : i32 to index
    %get3A_5 = arith.constant 0 : index
    %get3A_6 = vector.load %arg2[%get3A_4, %get3A_5] : memref<64x128xf32, #tpu.memory_space<vmem>>, vector<2x128xf32>
    %broadcast_in_dim3A = vector.shape_cast %get3A_6 : vector<2x128xf32> to vector<2x128x1xf32>
    %add3A = vector.broadcast %broadcast_in_dim3A : vector<2x128x1xf32> to vector<2x128x8192xf32>
    %add3A_7 = arith.addf %get3A_2, %add3A : vector<2x128x8192xf32>
    %swap3A = arith.constant 0 : index
    %swap3A_8 = arith.constant 0 : index
    %swap3A_9 = arith.constant 0 : index
    %swap3A_10 = vector.load %arg3[%swap3A, %swap3A_8, %swap3A_9] : memref<2x128x8192xf32, #tpu.memory_space<vmem>>, vector<2x128x8192xf32>
    tpu.vector_store %arg3[%swap3A, %swap3A_8, %swap3A_9], %add3A_7 {strides = array<i32>} : memref<2x128x8192xf32, #tpu.memory_space<vmem>>, vector<2x128x8192xf32>,
    return
  }
  func.func @transform_0(%arg0: i32) -> (i32, i32, i32) {
    %c0_i32 = arith.constant 0 : i32
    %c0_i32_0 = arith.constant 0 : i32
    %c0_i32_1 = arith.constant 0 : i32
    return %arg0, %c0_i32, %c0_i32_0 : i32, i32, i32
  }
  func.func @transform_1(%arg0: i32) -> (i32, i32) {
    %c0_i32 = arith.constant 0 : i32
    %c0_i32_0 = arith.constant 0 : i32
    %c0_i32_1 = arith.constant 0 : i32
    return %c0_i32, %c0_i32_0 : i32, i32
  }
  func.func @transform_2(%arg0: i32) -> (i32, i32, i32) {
    %c0_i32 = arith.constant 0 : i32
    %c0_i32_0 = arith.constant 0 : i32
    %c0_i32_1 = arith.constant 0 : i32
    return %arg0, %c0_i32, %c0_i32_0 : i32, i32, i32
  }
}

</mosaic_0001>

<sc_bundles>
// kernel: kernel.4.cloned.1.call-start
scs
__scs_entry_jumppad:
0x0: {  	(pc) =	sbr.rel $0x88, $3  }
0x1: {  	(tag) =	ssettag $0x0;
	lr =	simm.s32 $0x1  }
0x2: {  	[smem:$0x3F9E] =	sst lr;
	_ =	strace $0xD0000000  }
0x3: {  	_ = 	snop  }
0x4: {  	_ = 	snop  }
0x5: {  	_ = 	snop  }
0x6: {  	_ = 	snop  }
0x7: {  	_ = 	snop  }
__scs_overlays_trampoline_lowered:
0x8: {  	[smem:$0x3FAD] =	sst s0  }
0x9: {  	[smem:$0x3FAE] =	sst s1  }
0xa: {  	[smem:$0x3FAF] =	sst s2  }
0xb: {  	[smem:$0x3FB0] =	sst s3  }
0xc: {  	[smem:$0x3FB1] =	sst s4  }
0xd: {  	[smem:$0x3FB2] =	sst s5  }
0xe: {  	[smem:$0x3FB3] =	sst s6  }
0xf: {  	[smem:$0x3FB4] =	sst s7  }
0x10: {  	[smem:$0x3FB5] =	sst s8  }
0x11: {  	[smem:$0x3FB6] =	sst s9;
	s0 =	simm.s32 @!p0 $0x0  }
0x12: {  	s1 =	sld [smem:$0x3F9C];
	s0 =	simm.s32 @p0 $0x1  }
0x13: {  	[smem:$0x3FB7] =	sst s0;
	s0 =	simm.s32 @!p1 $0x0  }
0x14: {  	s2 =	sld [smem:$0x3F9B];
	s0 =	simm.s32 @p1 $0x1  }
0x15: {  	[smem:$0x3FB8] =	sst s0;
	s0 =	simm.s32 @!p2 $0x0  }
0x16: {  	s3 =	sld [smem:$0x3FDB];
	s0 =	simm.s32 @p2 $0x1  }
0x17: {  	s4 =	simm.s32 $0x1BF5;
	[smem:$0x3FBA] =	sst s0  }
0x18: {  	s0 =	sld [smem:$0x3F9D];
	_ =	swait.ge [sflag:s4], $0x0  }
0x19: {  	s7 =	sld [smem:$0x3F9E]  }
0x1a: {  	s8 =	sadd.s32 $0xFFFFE003, lr  }
0x1b: {  	s9 =	sadd.s32 $0xFFFFFEF7, lr;
	s5 =	simm.s32 $0xFFFFFFFF;
	p2 =	slt.u32 s8, $0xFFFFF086  }
0x1c: {  	p1 =	slt.u32 s9, $0xF7A;
	s5 =	simm.s32 @!p2 $0x0  }
0x1d: {  	s5 =	simm.s32 @p1 $0x1;
	p0 =	seq.s32 s7, s2  }
0x1e: {  	s7 =	smul.u32 @!p0 $0xF7A, s2;
	p2 =	seq.s32 @!p0 s5, $0x0  }
0x1f: {  	s9 =	smul.u32 $0xF7A, s1;
	s8 =	simm.s32 @!p0 $0x1BF5;
	p2 =	por !p2, p0  }
0x20: {  	[sflag:s8] =	ssyncset.s32 @!p0 $0xFFFFF086;
	s6 =	sadd.s32 @!p0 s3, s7;
	s7 =	simm.s32 @!p0 $0x108  }
0x21: {  	s3 =	sadd.s32 s3, s9;
	s6 =	sadd.s32 @!p0 $0x88, s6;
	s7 =	simm.s32 @p2 $0x1082  }
0x22: {  	[simem:s7], [sflag:s8] =	dma.local @!p0 [hbm:s6], $0xF7A  }
0x23: {  	s9 =	sor.u32 $0xD0000000, s2;
	s6 =	simm.s32 $0x108;
	_ =	swait.ge @!p0 [sflag:s8], $0x0  }
0x24: {  	s3 =	sadd.s32 $0x88, s3;
	s6 =	simm.s32 @!p1 $0x1082;
	[sflag:s4] =	ssyncset.s32 $0xFFFFF086  }
0x25: {  	[simem:s6], [sflag:s4] =	dma.local [hbm:s3], $0xF7A  }
0x26: {  	[smem:$0x3F9E] =	sst s1;
	(tag) =	ssettag s2;
	_ =	strace s9  }
0x27: {  	s1 =	sld [smem:$0x3FAE]  }
0x28: {  	s2 =	sld [smem:$0x3FAF]  }
0x29: {  	s4 =	sld [smem:$0x3FB1]  }
0x2a: {  	p0 =	seq.s32 s5, $0x0;
	s5 =	sld [smem:$0x3FB2]  }
0x2b: {  	s6 =	sld [smem:$0x3FB3]  }
0x2c: {  	s7 =	sld [smem:$0x3FB4]  }
0x2d: {  	s3 =	simm.s32 $0x108;
	s8 =	sld [smem:$0x3FB5]  }
0x2e: {  	s3 =	simm.s32 @!p0 $0x1082;
	s9 =	sld [smem:$0x3FB6]  }
0x2f: {  	lr =	sadd.s32 s0, s3;
	s0 =	sld [smem:$0x3FAD]  }
0x30: {  	s3 =	sld [smem:$0x3FB0]  }
0x31: {  	[smem:$0x3FB9] =	sst s10  }
0x32: {  	s10 =	sld [smem:$0x3FB7];
	_ =	sdelay $0x3  }
0x33: {  	p0 =	seq.s32 s10, $0x1;
	s10 =	sld [smem:$0x3FB9];
	_ =	sdelay $0x3  }
0x34: {  	[smem:$0x3FB9] =	sst s10  }
0x35: {  	s10 =	sld [smem:$0x3FB8];
	_ =	sdelay $0x3  }
0x36: {  	p1 =	seq.s32 s10, $0x1;
	s10 =	sld [smem:$0x3FB9];
	_ =	sdelay $0x3  }
0x37: {  	[smem:$0x3FB9] =	sst s10  }
0x38: {  	s10 =	sld [smem:$0x3FBA]  }
0x39: {  	_ = 	snop;
	(pc) =	sbr.ind lr, $3  }
0x3a: {  	_ = 	snop  }
0x3b: {  	_ = 	snop  }
0x3c: {  	p2 =	seq.s32 s10, $0x1;
	s10 =	sld [smem:$0x3FB9]  }
0x3d: {  	_ =	shalt  }
0x3e: {  	_ =	shalt  }
0x3f: {  	_ =	shalt  }
0x40: {  	_ =	shalt  }
0x41: {  	_ =	shalt  }
0x42: {  	_ =	shalt  }
0x43: {  	_ =	shalt  }
0x44: {  	_ =	shalt  }
0x45: {  	_ =	shalt  }
0x46: {  	_ =	shalt  }
0x47: {  	_ =	shalt  }
0x48: {  	_ =	shalt  }
0x49: {  	_ =	shalt  }
0x4a: {  	_ =	shalt  }
0x4b: {  	_ =	shalt  }
0x4c: {  	_ =	shalt  }
0x4d: {  	_ =	shalt  }
0x4e: {  	_ =	shalt  }
0x4f: {  	_ =	shalt  }
0x50: {  	_ =	shalt  }
0x51: {  	_ =	shalt  }
0x52: {  	_ =	shalt  }
0x53: {  	_ =	shalt  }
0x54: {  	_ =	shalt  }
0x55: {  	_ =	shalt  }
0x56: {  	_ =	shalt  }
0x57: {  	_ =	shalt  }
0x58: {  	_ =	shalt  }
0x59: {  	_ =	shalt  }
0x5a: {  	_ =	shalt  }
0x5b: {  	_ =	shalt  }
0x5c: {  	_ =	shalt  }
0x5d: {  	_ =	shalt  }
0x5e: {  	_ =	shalt  }
0x5f: {  	_ =	shalt  }
0x60: {  	_ =	shalt  }
0x61: {  	_ =	shalt  }
0x62: {  	_ =	shalt  }
0x63: {  	_ =	shalt  }
0x64: {  	_ =	shalt  }
0x65: {  	_ =	shalt  }
0x66: {  	_ =	shalt  }
0x67: {  	_ =	shalt  }
0x68: {  	_ =	shalt  }
0x69: {  	_ =	shalt  }
0x6a: {  	_ =	shalt  }
0x6b: {  	_ =	shalt  }
0x6c: {  	_ =	shalt  }
0x6d: {  	_ =	shalt  }
0x6e: {  	_ =	shalt  }
0x6f: {  	_ =	shalt  }
0x70: {  	_ =	shalt  }
0x71: {  	_ =	shalt  }
0x72: {  	_ =	shalt  }
0x73: {  	_ =	shalt  }
0x74: {  	_ =	shalt  }
0x75: {  	_ =	shalt  }
0x76: {  	_ =	shalt  }
0x77: {  	_ =	shalt  }
0x78: {  	_ =	shalt  }
0x79: {  	_ =	shalt  }
0x7a: {  	_ =	shalt  }
0x7b: {  	_ =	shalt  }
0x7c: {  	_ =	shalt  }
0x7d: {  	_ =	shalt  }
0x7e: {  	_ =	shalt  }
0x7f: {  	_ =	shalt  }
0x80: {  	_ =	shalt  }
0x81: {  	_ =	shalt  }
0x82: {  	_ =	shalt  }
0x83: {  	_ =	shalt  }
0x84: {  	_ =	shalt  }
0x85: {  	_ =	shalt  }
0x86: {  	_ =	shalt  }
0x87: {  	_ =	shalt  }
.Lfunc_end0:
.L_simem_size_0:
called_computation_lowered:
.L_overlay_start_0:
0x88: {  	s2 =	sld [smem:$0x3FD9]  }
0x89: {  	s3 =	sld [smem:$0x3FFE];
	_ =	sdelay $0x1  }
0x8a: {  	s1 =	srdreg.scid  }
0x8b: {  	s0 =	sand.u32 $0x1, s1  }
0x8c: {  	s17 =	sshll.u32 s0, $0xA;
	s2 =	sadd.s32 s3, s2  }
0x8d: {  	s2 =	sadd.s32 s2, s17  }
0x8e: {  	[smem:$0x3FC5] =	sst s2  }
0x8f: {  	_ = 	snop  }
0x90: {  	s2 =	sld [smem:$0x3FC7]  }
0x91: {  	s18 =	sld [smem:$0x3FD0];
	(tm) =	ssettm $0x1  }
0x92: {  	s4 =	sld [smem:$0x3FFB];
	_ =	sdelay $0x3  }
0x93: {  	_ =	strace s4  }
0x94: {  	s4 =	sld [smem:$0x3FFC];
	_ =	sdelay $0x3  }
0x95: {  	_ =	strace s4  }
0x96: {  	s4 =	sld [smem:$0x3FFD];
	_ =	sdelay $0x3  }
0x97: {  	_ =	strace s4  }
0x98: {  	_ =	strace $0x8FFFFFFF  }
0x99: {  	s19 =	sld [smem:$0x3FDB];
	_ =	sdelay $0x1  }
0x9a: {  	s5 =	simm.s32 $_scs_section_size  }
0x9b: {  	s6 =	simm.s32 $_size__tile_overlayer_lowered;
	s7 =	simm.s32 $_tile_overlayer_lowered  }
0x9c: {  	s22 =	simm.s32 $0x1BFF;
	s21 =	sshll.u32 s7, $0x1;
	s4 =	sadd.s32 s5, s19  }
0x9d: {  	s8 =	simm.s32 $0x0;
	s20 =	sshll.u32 s6, $0x1;
	s6 =	sadd.s32 s21, s4  }
0x9e: {  	[timem:s8], [sflag:s22] =	dma.local [hbm:s6], s20  }
0x9f: {  	_ =	swait.ge [sflag:s22], s20  }
0xa0: {  	s5 =	ssub.s32 $0x0, s20;
	[sflag:s22] =	ssyncset.done $0x0  }
0xa1: {  	[sflag:s22] =	ssyncadd.s32 s5;
	_ =	sdelay $0x1  }
0xa2: {  	s23 =	simm.s32 $0x1B8B  }
0xa3: {  	_ =	swait.ge [sflag:s23], $0x1  }
0xa4: {  	[sflag:s23] =	ssyncset.done $0x0  }
0xa5: {  	s25 =	simm.s32 $0x1B8E;
	s24 =	sld [smem:$0x3FFE];
	[sflag:s23] =	ssyncadd.s32 $0xFFFFFFFF  }
0xa6: {  	s26 =	simm.s32 $execute0_lowered;
	[smem:$0x3FD2] =	sst s25  }
0xa7: {  	s6 =	sshll.u32 s26, $0x1;
	_ =	strace $0x80000046;
	[dreg:$0x1] =	wrdreg $0xFFFFFFFF  }
0xa8: {  	s28 =	simm.s32 $_size_execute0_lowered;
	s4 =	sadd.s32 s4, s6;
	[dreg:$0x0] =	wrdreg $0x0  }
0xa9: {  	s6 =	sshll.u32 s28, $0x1;
	[dreg:$0x2] =	wrdreg s4  }
0xaa: {  	[dreg:$0x3] =	wrdreg s6  }
0xab: {  	[dreg:$0x4] =	wrdreg $0xC0  }
0xac: {  	_ =	task [dreg:s8], $0x5FFFF  }
0xad: {  	[dreg:$0x1] =	wrdreg $0xFFFFFFFF  }
0xae: {  	[dreg:$0x0] =	wrdreg $0x60  }
0xaf: {  	[dreg:$0x2] =	wrdreg s18  }
0xb0: {  	[dreg:$0x3] =	wrdreg s2  }
0xb1: {  	[dreg:$0x4] =	wrdreg s24  }
0xb2: {  	[dreg:$0x5] =	wrdreg $0x9  }
0xb3: {  	_ =	task.clear_ibuf [dreg:s8], $0x6FFFF;
	_ =	strace $0x90000046  }
0xb4: {  	s29 =	simm.s32 $0x9;
	_ =	strace $0x80000048  }
0xb5: {  	_ =	swait.ge [sflag:s29], $0x1  }
0xb6: {  	[sflag:s29] =	ssyncadd.s32 $0xFFFFFFFF  }
0xb7: {  	_ =	strace $0x90000048  }
0xb8: {  	_ =	sfence  }
0xb9: {  	s30 =	sld [smem:$0x0];
	_ =	sdelay $0x2  }
0xba: {  	s31 =	sshll.u32 s1, $0xD;
	s1 =	sshrl.u32 s1, $0x2  }
0xbb: {  	s3 =	sand.u32 $0x4000, s31;
	s1 =	sadd.s32 s1, s30  }
0xbc: {  	s0 =	sor.u32 s3, s0;
	s1 =	sshll.u32 s1, $0x11  }
0xbd: {  	s0 =	sor.u32 s1, s0  }
0xbe: {  	s0 =	sadd.s32 $0x8F2B, s0  }
0xbf: {  	[sflag:s0] =	ssyncadd.remote.s32 $0x1  }
0xc0: {  	_ =	sfence.sel $0xFFFF  }
0xc1: {  	[dreg:$0x0] =	wrdreg $0xFFFFFFFF;
	(pc) =	sbr.abs _section_cstart, $3  }
0xc2: {  	[dreg:$0x1] =	wrdreg $0xFFFFFFFF  }
0xc3: {  	_ =	task.clear_ibuf [dreg:s8], $0x2FFFF;
	_ =	strace $0x9FFFFFFF  }
0xc4: {  	(tm) =	ssettm $0x7FFFFFFF  }
0xc5: {  	_ =	shalt  }
tec
execute0_lowered:
.L_overlay_start_1:
0x0: {  	(tag) =	ssettag $0x1  }
0x1: {  	s4 =	rddreg [dreg:$0x0]  }
0x2: {  	s1 =	rddreg [dreg:$0x1]  }
0x3: {  	s5 =	rddreg [dreg:$0x2]  }
0x4: {  	s0 =	rddreg [dreg:$0x3];
	s6 =	srdreg.scid  }
0x5: {  	s3 =	simm.s32 $0x0;
	s2 =	stileid.u32;
	s9 =	simm.s32 $0x100  }
0x6: {  	s10 =	simm.s32 $0x180;
	s11 =	simm.s32 $0x1;
	s12 =	simm.s32 $0x1180  }
0x7: {  	s6 =	sand.u32 $0x1, s6;
	s7 =	sshll.u32 s2, $0x6;
	[smem:$0x7FF] =	sst s3  }
0x8: {  	v0 =	vlaneseq.u32;
	s8 =	sshll.u32 s6, $0x5;
	s6 =	ssub.s32 $0x2, s6;
	_ =	strace $0x80000047  }
0x9: {  	v0 =	vmul.u32 $0x2, v0;
	s7 =	sor.u32 s8, s7;
	s31 =	sshrl.u32 s6, $0x1;
	s8 =	simm.s32 $0x20  }
0xa: {  	s5 =	sadd.s32 s7, s5;
	s6 =	ssub.s32 s6, s31;
	s4 =	sadd.s32 s4, s7  }
0xb: {  	[tilespmem:$0x1FFF0] =	vst v0;
	s7 =	simm.s32 $0x2;
	s5 =	sadd.s32 $0x600, s5;
	s6 =	smax.u32 s6, $0x1  }
.LBB2_1:
0xc: {  	[tilespmem:s3], [sflag:$0x2] =	stream.linear.gather [hbm4b:s4+s3], $0x100, $0x38;
	[tilespmem:$0x1280] =	vst v63  }
0xd: {  	_ =	swait.ge [sflag:s7], $0x100  }
0xe: {  	[sflag:s7] =	ssyncset.done $0x0  }
0xf: {  	v2 =	vld [tilespmem:$0x1FFF0];
	[sflag:s7] =	ssyncadd.s32 $0xFFFFFF00  }
0x10: {  	v0 =	vld [tilespmem:$0x0]  }
0x11: {  	v1 =	vld [tilespmem:$0x80];
	_ =	sdelay $0x3  }
0x12: {  	v0 =	vadd.s32 v2, v0  }
0x13: {  	v57 =	vadd.s32 v2, v1;
	[tilespmem:$0x100] =	vst v0  }
0x14: {  	[tilespmem:$0x110] =	vst v57  }
0x15: {  	[tilespmem:s10], [sflag:$0x1] =	stream.indirect.gather [hbm4b:s1+s8], $0x80, s9, s8, $0xb8;
	[tilespmem:$0x1280] =	vst v63  }
0x16: {  	_ =	swait.ge [sflag:s11], $0x1000  }
0x17: {  	[sflag:s11] =	ssyncset.done $0x0  }
0x18: {  	[sflag:s11] =	ssyncadd.s32 $0xFFFFF000  }
0x19: {  	v29 =	vld [tilespmem:$0x180]  }
0x1a: {  	v28 =	vld [tilespmem:$0x200]  }
0x1b: {  	v32 =	vld [tilespmem:$0x280]  }
0x1c: {  	v36 =	vld [tilespmem:$0x300]  }
0x1d: {  	v46 =	vld [tilespmem:$0x380]  }
0x1e: {  	v51 =	vld [tilespmem:$0x400]  }
0x1f: {  	v59 =	vld [tilespmem:$0x480]  }
0x20: {  	v58 =	vld [tilespmem:$0x500]  }
0x21: {  	v60 =	vld [tilespmem:$0x580]  }
0x22: {  	v61 =	vld [tilespmem:$0x600]  }
0x23: {  	v62 =	vld [tilespmem:$0x680]  }
0x24: {  	v63 =	vld [tilespmem:$0x700]  }
0x25: {  	v4 =	vld [tilespmem:$0x780]  }
0x26: {  	v5 =	vld [tilespmem:$0x800]  }
0x27: {  	v6 =	vld [tilespmem:$0x880]  }
0x28: {  	v7 =	vld [tilespmem:$0x900]  }
0x29: {  	v14 =	vld [tilespmem:$0x190]  }
0x2a: {  	v11 =	vld [tilespmem:$0x210]  }
0x2b: {  	v16 =	vld [tilespmem:$0x290]  }
0x2c: {  	v20 =	vld [tilespmem:$0x310]  }
0x2d: {  	v25 =	vld [tilespmem:$0x390]  }
0x2e: {  	v39 =	vld [tilespmem:$0x410]  }
0x2f: {  	v45 =	vld [tilespmem:$0x490]  }
0x30: {  	v56 =	vld [tilespmem:$0x510]  }
0x31: {  	v55 =	vld [tilespmem:$0x590]  }
0x32: {  	v8 =	vld [tilespmem:$0x690]  }
0x33: {  	v9 =	vld [tilespmem:$0x710]  }
0x34: {  	v10 =	vld [tilespmem:$0x790]  }
0x35: {  	v12 =	vld [tilespmem:$0x810]  }
0x36: {  	v13 =	vld [tilespmem:$0x890]  }
0x37: {  	v15 =	vld [tilespmem:$0x910]  }
0x38: {  	v19 =	vld [tilespmem:$0x420]  }
0x39: {  	v23 =	vld [tilespmem:$0x4A0]  }
0x3a: {  	v31 =	vld [tilespmem:$0x520]  }
0x3b: {  	v37 =	vld [tilespmem:$0x5A0]  }
0x3c: {  	v43 =	vld [tilespmem:$0x620]  }
0x3d: {  	v52 =	vld [tilespmem:$0x6A0]  }
0x3e: {  	v17 =	vld [tilespmem:$0x7A0]  }
0x3f: {  	v18 =	vld [tilespmem:$0x820]  }
0x40: {  	v21 =	vld [tilespmem:$0x8A0]  }
0x41: {  	v22 =	vld [tilespmem:$0x920]  }
0x42: {  	v1 =	vld [tilespmem:$0x1B0]  }
0x43: {  	v0 =	vld [tilespmem:$0x230]  }
0x44: {  	v2 =	vld [tilespmem:$0x2B0]  }
0x45: {  	v3 =	vld [tilespmem:$0x330]  }
0x46: {  	v26 =	vld [tilespmem:$0x630]  }
0x47: {  	v34 =	vld [tilespmem:$0x6B0]  }
0x48: {  	v40 =	vld [tilespmem:$0x730]  }
0x49: {  	v48 =	vld [tilespmem:$0x7B0]  }
0x4a: {  	v54 =	vld [tilespmem:$0x830]  }
0x4b: {  	v24 =	vld [tilespmem:$0x930]  }
0x4c: {  	v27 =	vld [tilespmem:$0x1C0]  }
0x4d: {  	v30 =	vld [tilespmem:$0x240]  }
0x4e: {  	v33 =	vld [tilespmem:$0x2C0]  }
0x4f: {  	v35 =	vld [tilespmem:$0x340]  }
0x50: {  	v38 =	vld [tilespmem:$0x3C0]  }
0x51: {  	v41 =	vld [tilespmem:$0x440]  }
0x52: {  	v42 =	vld [tilespmem:$0x4C0]  }
0x53: {  	v44 =	vld [tilespmem:$0x540]  }
0x54: {  	v47 =	vld [tilespmem:$0x5C0]  }
0x55: {  	v49 =	vld [tilespmem:$0x640]  }
0x56: {  	v50 =	vld [tilespmem:$0x6C0]  }
0x57: {  	v53 =	vld [tilespmem:$0x740]  }
0x58: {  	v57 =	vld [tilespmem:$0x7C0]  }
0x59: {  	[tilespmem:$0x1FB00] =	vst v63;
	v63 =	vld [tilespmem:$0x610]  }
0x5a: {  	[tilespmem:$0x1FB40] =	vst v5;
	v5 =	vld [tilespmem:$0x1A0]  }
0x5b: {  	[tilespmem:$0x1FB20] =	vst v4;
	v4 =	vld [tilespmem:$0x220]  }
0x5c: {  	[tilespmem:$0x1FBA0] =	vst v7;
	v7 =	vld [tilespmem:$0x2A0]  }
0x5d: {  	[tilespmem:$0x1FB10] =	vst v9;
	v9 =	vld [tilespmem:$0x320]  }
0x5e: {  	[tilespmem:$0x1FBC0] =	vst v15;
	v15 =	vld [tilespmem:$0x3A0]  }
0x5f: {  	[tilespmem:$0x1FAC0] =	vst v60;
	v60 =	vld [tilespmem:$0x720]  }
0x60: {  	[tilespmem:$0x1FB70] =	vst v6;
	v6 =	vld [tilespmem:$0x3B0]  }
0x61: {  	[tilespmem:$0x1FAF0] =	vst v8;
	v8 =	vld [tilespmem:$0x430]  }
0x62: {  	[tilespmem:$0x1FB30] =	vst v10;
	v10 =	vld [tilespmem:$0x4B0]  }
0x63: {  	[tilespmem:$0x1FB50] =	vst v17;
	v17 =	vld [tilespmem:$0x530]  }
0x64: {  	[tilespmem:$0x1FBB0] =	vst v21;
	v21 =	vld [tilespmem:$0x5B0]  }
0x65: {  	[tilespmem:$0x1FB60] =	vst v12;
	v12 =	vld [tilespmem:$0x8B0]  }
0x66: {  	[tilespmem:$0x1FAB0] =	vst v58;
	v58 =	vld [tilespmem:$0x840]  }
0x67: {  	[tilespmem:$0x1FAD0] =	vst v61;
	v61 =	vld [tilespmem:$0x8C0]  }
0x68: {  	[tilespmem:$0x1FAE0] =	vst v62;
	v62 =	vld [tilespmem:$0x940]  }
0x69: {  	[tilespmem:$0x1FCA0] =	vst v44;
	v44 =	vld [tilespmem:$0x1D0]  }
0x6a: {  	[tilespmem:$0x1FC80] =	vst v42;
	v42 =	vld [tilespmem:$0x250]  }
0x6b: {  	[tilespmem:$0x1FD20] =	vst v50;
	v50 =	vld [tilespmem:$0x2D0]  }
0x6c: {  	[tilespmem:$0x1FB80] =	vst v18;
	v18 =	vld [tilespmem:$0x3D0]  }
0x6d: {  	[tilespmem:$0x1FBE0] =	vst v22;
	v22 =	vld [tilespmem:$0x450]  }
0x6e: {  	[tilespmem:$0x1FC10] =	vst v24;
	v24 =	vld [tilespmem:$0x4D0]  }
0x6f: {  	[tilespmem:$0x1FBF0] =	vst v27;
	v27 =	vld [tilespmem:$0x550]  }
0x70: {  	[tilespmem:$0x1FC00] =	vst v30;
	v30 =	vld [tilespmem:$0x5D0]  }
0x71: {  	[tilespmem:$0x1FC20] =	vst v33;
	v33 =	vld [tilespmem:$0x650]  }
0x72: {  	[tilespmem:$0x1FC30] =	vst v35;
	v35 =	vld [tilespmem:$0x6D0]  }
0x73: {  	[tilespmem:$0x1FC40] =	vst v38;
	v38 =	vld [tilespmem:$0x750]  }
0x74: {  	[tilespmem:$0x1FC60] =	vst v41;
	v41 =	vld [tilespmem:$0x7D0]  }
0x75: {  	[tilespmem:$0x1FCC0] =	vst v47;
	v47 =	vld [tilespmem:$0x850]  }
0x76: {  	[tilespmem:$0x1FCF0] =	vst v49;
	v49 =	vld [tilespmem:$0x8D0]  }
0x77: {  	[tilespmem:$0x1FD60] =	vst v53;
	v53 =	vld [tilespmem:$0x950]  }
0x78: {  	[tilespmem:$0x1FDA0] =	vst v57;
	v57 =	vld [tilespmem:$0x560]  }
0x79: {  	[tilespmem:$0x1FB90] =	vst v13;
	v13 =	vld [tilespmem:$0x1F0];
	v0 =	vadd.f32 v0, v1  }
0x7a: {  	v28 =	vadd.f32 v28, v29;
	v29 =	vld [tilespmem:$0x1000]  }
0x7b: {  	v11 =	vadd.f32 v11, v14;
	v14 =	vld [tilespmem:$0x1100];
	v0 =	vadd.f32 v2, v0  }
0x7c: {  	v28 =	vadd.f32 v32, v28;
	v2 =	vld [tilespmem:$0xA90]  }
0x7d: {  	v32 =	vadd.f32 v16, v11;
	v0 =	vadd.f32 v3, v0;
	v3 =	vld [tilespmem:$0xB10]  }
0x7e: {  	v11 =	vadd.f32 v36, v28;
	v28 =	vld [tilespmem:$0xC10]  }
0x7f: {  	v16 =	vadd.f32 v20, v32;
	v20 =	vld [tilespmem:$0x1FAB0]  }
0x80: {  	v32 =	vld [tilespmem:$0x1FAD0]  }
0x81: {  	v36 =	vld [tilespmem:$0xF10]  }
0x82: {  	[tilespmem:$0x1FDE0] =	vst v58;
	v58 =	vld [tilespmem:$0x350]  }
0x83: {  	[tilespmem:$0x1FCB0] =	vst v27;
	v27 =	vld [tilespmem:$0x1E0]  }
0x84: {  	[tilespmem:$0x1FC90] =	vst v24;
	v24 =	vld [tilespmem:$0x260]  }
0x85: {  	[tilespmem:$0x1FD10] =	vst v33;
	v33 =	vld [tilespmem:$0x2E0]  }
0x86: {  	[tilespmem:$0x1FD80] =	vst v38;
	v38 =	vld [tilespmem:$0x360]  }
0x87: {  	[tilespmem:$0x1FE00] =	vst v47;
	v47 =	vld [tilespmem:$0x3E0]  }
0x88: {  	[tilespmem:$0x1FE80] =	vst v53;
	v53 =	vld [tilespmem:$0x460]  }
0x89: {  	[tilespmem:$0x1FE20] =	vst v61;
	v61 =	vld [tilespmem:$0x4E0]  }
0x8a: {  	[tilespmem:$0x1FE60] =	vst v62;
	v62 =	vld [tilespmem:$0x5E0]  }
0x8b: {  	[tilespmem:$0x1FC50] =	vst v18;
	v18 =	vld [tilespmem:$0x660]  }
0x8c: {  	[tilespmem:$0x1FC70] =	vst v22;
	v22 =	vld [tilespmem:$0x6E0]  }
0x8d: {  	[tilespmem:$0x1FCE0] =	vst v30;
	v30 =	vld [tilespmem:$0x760]  }
0x8e: {  	[tilespmem:$0x1FD40] =	vst v35;
	v35 =	vld [tilespmem:$0x7E0]  }
0x8f: {  	[tilespmem:$0x1FDC0] =	vst v41;
	v41 =	vld [tilespmem:$0x860]  }
0x90: {  	[tilespmem:$0x1FE40] =	vst v49;
	v49 =	vld [tilespmem:$0x8E0]  }
0x91: {  	[tilespmem:$0x1FCD0] =	vst v57;
	v57 =	vld [tilespmem:$0x960]  }
0x92: {  	[tilespmem:$0x1FBD0] =	vst v12;
	v12 =	vld [tilespmem:$0x270]  }
0x93: {  	v4 =	vadd.f32 v4, v5;
	v5 =	vld [tilespmem:$0x990]  }
0x94: {  	[tilespmem:$0x1FFB0] =	vst v29;
	v29 =	vld [tilespmem:$0xD10]  }
0x95: {  	[tilespmem:$0x1FFE0] =	vst v14;
	v14 =	vld [tilespmem:$0x1FB50]  }
0x96: {  	v1 =	vadd.f32 v46, v11;
	v46 =	vld [tilespmem:$0x1FAF0]  }
0x97: {  	v4 =	vadd.f32 v7, v4;
	v7 =	vadd.f32 v25, v16;
	v25 =	vld [tilespmem:$0x1FAC0]  }
0x98: {  	v0 =	vadd.f32 v6, v0;
	v16 =	vld [tilespmem:$0x1FB70]  }
0x99: {  	v1 =	vadd.f32 v51, v1;
	v51 =	vld [tilespmem:$0x1FB00]  }
0x9a: {  	v0 =	vadd.f32 v8, v0;
	v8 =	vld [tilespmem:$0x10A0]  }
0x9b: {  	v9 =	vadd.f32 v9, v4;
	v4 =	vld [tilespmem:$0xA10]  }
0x9c: {  	v7 =	vadd.f32 v39, v7;
	v39 =	vld [tilespmem:$0xB90]  }
0x9d: {  	[tilespmem:$0x1FF90] =	vst v36;
	v36 =	vld [tilespmem:$0xD20]  }
0x9e: {  	[tilespmem:$0x1FD30] =	vst v18;
	v18 =	vld [tilespmem:$0x2F0]  }
0x9f: {  	[tilespmem:$0x1FD70] =	vst v22;
	v22 =	vld [tilespmem:$0x370]  }
0xa0: {  	[tilespmem:$0x1FDB0] =	vst v30;
	v30 =	vld [tilespmem:$0x3F0]  }
0xa1: {  	[tilespmem:$0x1FDF0] =	vst v35;
	v35 =	vld [tilespmem:$0x470]  }
0xa2: {  	[tilespmem:$0x1FE30] =	vst v41;
	v41 =	vld [tilespmem:$0x4F0]  }
0xa3: {  	[tilespmem:$0x1FE70] =	vst v49;
	v49 =	vld [tilespmem:$0x570]  }
0xa4: {  	[tilespmem:$0x1FEA0] =	vst v57;
	v57 =	vld [tilespmem:$0x5F0]  }
0xa5: {  	[tilespmem:$0x1FD00] =	vst v62;
	v62 =	vld [tilespmem:$0x670]  }
0xa6: {  	v0 =	vadd.f32 v10, v0;
	v10 =	vld [tilespmem:$0xA20]  }
0xa7: {  	v1 =	vadd.f32 v59, v1;
	v59 =	vld [tilespmem:$0x1FB30]  }
0xa8: {  	v7 =	vadd.f32 v45, v7;
	v45 =	vld [tilespmem:$0xC90]  }
0xa9: {  	v9 =	vadd.f32 v15, v9;
	v15 =	vld [tilespmem:$0x1FB60]  }
0xaa: {  	v0 =	vadd.f32 v17, v0;
	v17 =	vld [tilespmem:$0x1FB80]  }
0xab: {  	v1 =	vadd.f32 v20, v1;
	v20 =	vld [tilespmem:$0x1FBA0]  }
0xac: {  	v7 =	vadd.f32 v56, v7;
	v56 =	vld [tilespmem:$0xD90]  }
0xad: {  	v19 =	vadd.f32 v19, v9;
	v9 =	vld [tilespmem:$0x9A0]  }
0xae: {  	v0 =	vadd.f32 v21, v0;
	v21 =	vld [tilespmem:$0xF90]  }
0xaf: {  	v1 =	vadd.f32 v25, v1;
	v25 =	vld [tilespmem:$0xCA0]  }
0xb0: {  	[tilespmem:$0x1FD50] =	vst v62;
	v62 =	vld [tilespmem:$0x6F0]  }
0xb1: {  	v6 =	vadd.f32 v23, v19;
	v23 =	vld [tilespmem:$0xE90]  }
0xb2: {  	v7 =	vadd.f32 v55, v7;
	v55 =	vld [tilespmem:$0x1FB20]  }
0xb3: {  	v19 =	vld [tilespmem:$0x1FB90]  }
0xb4: {  	v0 =	vadd.f32 v26, v0;
	v26 =	vld [tilespmem:$0x1FBB0]  }
0xb5: {  	v1 =	vadd.f32 v32, v1;
	v32 =	vld [tilespmem:$0x1FBD0]  }
0xb6: {  	v4 =	vadd.f32 v4, v5;
	v6 =	vadd.f32 v31, v6;
	v31 =	vld [tilespmem:$0xE10]  }
0xb7: {  	v7 =	vadd.f32 v63, v7;
	v63 =	vld [tilespmem:$0x1090]  }
0xb8: {  	v2 =	vadd.f32 v2, v4;
	v0 =	vadd.f32 v34, v0;
	v34 =	vld [tilespmem:$0x1FBE0]  }
0xb9: {  	v9 =	vadd.f32 v10, v9;
	v10 =	vld [tilespmem:$0xF40]  }
0xba: {  	v2 =	vadd.f32 v3, v2;
	v3 =	vld [tilespmem:$0x10C0]  }
0xbb: {  	v6 =	vadd.f32 v37, v6;
	v37 =	vld [tilespmem:$0x1FAE0]  }
0xbc: {  	v7 =	vadd.f32 v46, v7;
	v46 =	vld [tilespmem:$0x1FBF0]  }
0xbd: {  	[tilespmem:$0x1FD90] =	vst v62;
	v62 =	vld [tilespmem:$0x770]  }
0xbe: {  	v0 =	vadd.f32 v40, v0;
	v40 =	vld [tilespmem:$0xB20]  }
0xbf: {  	v6 =	vadd.f32 v43, v6;
	v43 =	vld [tilespmem:$0x1010]  }
0xc0: {  	v2 =	vadd.f32 v39, v2;
	[tilespmem:$0x1FF60] =	vst v31;
	v31 =	vld [tilespmem:$0x1FBC0]  }
0xc1: {  	v0 =	vadd.f32 v48, v0;
	v48 =	vld [tilespmem:$0x1FC00]  }
0xc2: {  	v2 =	vadd.f32 v28, v2;
	v28 =	vld [tilespmem:$0xA50]  }
0xc3: {  	v6 =	vadd.f32 v52, v6;
	v52 =	vld [tilespmem:$0x1FB10]  }
0xc4: {  	v1 =	vadd.f32 v37, v1;
	v37 =	vld [tilespmem:$0xAA0]  }
0xc5: {  	v0 =	vadd.f32 v54, v0;
	v54 =	vadd.f32 v42, v44;
	v42 =	vld [tilespmem:$0x1FC50]  }
0xc6: {  	v44 =	vld [tilespmem:$0x1FC60]  }
0xc7: {  	[tilespmem:$0x1FDD0] =	vst v62;
	v62 =	vld [tilespmem:$0x7F0]  }
0xc8: {  	v6 =	vadd.f32 v60, v6;
	v60 =	vld [tilespmem:$0x1FB40]  }
0xc9: {  	[tilespmem:$0x1FFC0] =	vst v43;
	v43 =	vld [tilespmem:$0xBA0]  }
0xca: {  	v2 =	vadd.f32 v45, v2;
	v0 =	vadd.f32 v32, v0;
	v32 =	vld [tilespmem:$0xDA0]  }
0xcb: {  	v1 =	vadd.f32 v51, v1;
	v51 =	vld [tilespmem:$0x1FC10]  }
0xcc: {  	v2 =	vadd.f32 v29, v2;
	v29 =	vld [tilespmem:$0xBD0]  }
0xcd: {  	v7 =	vadd.f32 v52, v7;
	v52 =	vld [tilespmem:$0xC20]  }
0xce: {  	v1 =	vadd.f32 v55, v1;
	v55 =	vld [tilespmem:$0x1FC20]  }
0xcf: {  	v2 =	vadd.f32 v56, v2;
	v56 =	vld [tilespmem:$0x1FF60]  }
0xd0: {  	v37 =	vadd.f32 v37, v9;
	v9 =	vld [tilespmem:$0xFC0]  }
0xd1: {  	[tilespmem:$0x1FE10] =	vst v62;
	v62 =	vld [tilespmem:$0x870]  }
0xd2: {  	v1 =	vadd.f32 v60, v1;
	v60 =	vadd.f32 v12, v13;
	v12 =	vld [tilespmem:$0xFA0]  }
0xd3: {  	v7 =	vadd.f32 v59, v7;
	v59 =	vadd.f32 v24, v27;
	v24 =	vld [tilespmem:$0x1FC30]  }
0xd4: {  	v6 =	vadd.f32 v14, v6;
	v13 =	vld [tilespmem:$0x1FE80]  }
0xd5: {  	v7 =	vadd.f32 v15, v7;
	v1 =	vadd.f32 v16, v1;
	v16 =	vld [tilespmem:$0x1020]  }
0xd6: {  	v6 =	vadd.f32 v17, v6;
	v2 =	vadd.f32 v56, v2;
	v56 =	vld [tilespmem:$0xA60]  }
0xd7: {  	v7 =	vadd.f32 v19, v7;
	v20 =	vadd.f32 v20, v1;
	v19 =	vld [tilespmem:$0xF20]  }
0xd8: {  	v1 =	vadd.f32 v26, v6;
	v6 =	vadd.f32 v33, v59;
	v33 =	vld [tilespmem:$0x1FC40]  }
0xd9: {  	v26 =	vadd.f32 v51, v0;
	v0 =	vadd.f32 v50, v54;
	v50 =	vld [tilespmem:$0x1FCA0]  }
0xda: {  	v51 =	vld [tilespmem:$0x1FCB0]  }
0xdb: {  	v54 =	vld [tilespmem:$0x1FCD0]  }
0xdc: {  	v59 =	vld [tilespmem:$0x1FD00]  }
0xdd: {  	[tilespmem:$0x1FE50] =	vst v62;
	v62 =	vld [tilespmem:$0x8F0]  }
0xde: {  	v2 =	vadd.f32 v23, v2;
	v23 =	vld [tilespmem:$0xED0]  }
0xdf: {  	v14 =	vadd.f32 v31, v7;
	v31 =	vld [tilespmem:$0xE20]  }
0xe0: {  	v17 =	vadd.f32 v34, v1;
	v34 =	vld [tilespmem:$0xEA0]  }
0xe1: {  	v27 =	vadd.f32 v58, v0;
	v0 =	vld [tilespmem:$0x1120]  }
0xe2: {  	v7 =	vadd.f32 v18, v60;
	v18 =	vld [tilespmem:$0x9B0]  }
0xe3: {  	v1 =	vadd.f32 v48, v46;
	v46 =	vld [tilespmem:$0x1FC70]  }
0xe4: {  	v48 =	vld [tilespmem:$0x1FC90]  }
0xe5: {  	v6 =	vadd.f32 v38, v6;
	v38 =	vld [tilespmem:$0xD30]  }
0xe6: {  	v58 =	vld [tilespmem:$0x1FCF0]  }
0xe7: {  	v60 =	vld [tilespmem:$0x1FD10]  }
0xe8: {  	v7 =	vadd.f32 v22, v7;
	v22 =	vld [tilespmem:$0xA30]  }
0xe9: {  	v6 =	vadd.f32 v47, v6;
	v47 =	vld [tilespmem:$0x1FC80]  }
0xea: {  	v11 =	vadd.f32 v42, v27;
	v27 =	vld [tilespmem:$0xB30]  }
0xeb: {  	v1 =	vadd.f32 v55, v1;
	v55 =	vld [tilespmem:$0x1FCE0]  }
0xec: {  	v42 =	vld [tilespmem:$0xE30]  }
0xed: {  	[tilespmem:$0x1FE90] =	vst v62;
	v62 =	vld [tilespmem:$0x970]  }
0xee: {  	v1 =	vadd.f32 v24, v1;
	v24 =	vld [tilespmem:$0xAB0]  }
0xef: {  	v7 =	vadd.f32 v30, v7;
	v30 =	vld [tilespmem:$0xBB0]  }
0xf0: {  	v6 =	vadd.f32 v53, v6;
	v53 =	vld [tilespmem:$0x1FCC0]  }
0xf1: {  	v11 =	vadd.f32 v46, v11;
	v46 =	vld [tilespmem:$0x1FD30]  }
0xf2: {  	v1 =	vadd.f32 v33, v1;
	v33 =	vld [tilespmem:$0xC30]  }
0xf3: {  	v7 =	vadd.f32 v35, v7;
	v35 =	vld [tilespmem:$0xCB0]  }
0xf4: {  	v6 =	vadd.f32 v61, v6;
	v61 =	vld [tilespmem:$0x1FD20]  }
0xf5: {  	v11 =	vadd.f32 v48, v11;
	v48 =	vld [tilespmem:$0x1FD50]  }
0xf6: {  	v7 =	vadd.f32 v41, v7;
	v41 =	vld [tilespmem:$0xDB0]  }
0xf7: {  	v1 =	vadd.f32 v44, v1;
	v44 =	vld [tilespmem:$0xEB0]  }
0xf8: {  	v6 =	vadd.f32 v54, v6;
	v54 =	vld [tilespmem:$0x1FDA0]  }
0xf9: {  	[tilespmem:$0x1FED0] =	vst v62;
	v62 =	vld [tilespmem:$0x980]  }
0xfa: {  	v11 =	vadd.f32 v51, v11;
	v51 =	vld [tilespmem:$0x1FD80]  }
0xfb: {  	v1 =	vadd.f32 v47, v1;
	v47 =	vld [tilespmem:$0x1FD40]  }
0xfc: {  	v4 =	vadd.f32 v22, v18;
	v7 =	vadd.f32 v49, v7;
	v49 =	vld [tilespmem:$0x1FD60]  }
0xfd: {  	v18 =	vadd.f32 v40, v37;
	v6 =	vadd.f32 v59, v6;
	v59 =	vld [tilespmem:$0x1FDE0]  }
0xfe: {  	v11 =	vadd.f32 v55, v11;
	v55 =	vld [tilespmem:$0x1FDB0]  }
0xff: {  	v18 =	vadd.f32 v43, v18;
	v6 =	vadd.f32 v46, v6;
	v46 =	vld [tilespmem:$0xF30]  }
0x100: {  	v1 =	vadd.f32 v50, v1;
	v50 =	vld [tilespmem:$0x1FD70]  }
0x101: {  	v18 =	vadd.f32 v52, v18;
	v7 =	vadd.f32 v57, v7;
	v57 =	vld [tilespmem:$0x1FDC0]  }
0x102: {  	v11 =	vadd.f32 v60, v11;
	v60 =	vld [tilespmem:$0x1FDF0]  }
0x103: {  	v18 =	vadd.f32 v25, v18;
	v25 =	vld [tilespmem:$0xB50]  }
0x104: {  	[tilespmem:$0x1FEB0] =	vst v62;
	v62 =	vld [tilespmem:$0xA00]  }
0x105: {  	v7 =	vadd.f32 v48, v7;
	v48 =	vld [tilespmem:$0x1030]  }
0x106: {  	v1 =	vadd.f32 v53, v1;
	v53 =	vld [tilespmem:$0x1FD90]  }
0x107: {  	v11 =	vadd.f32 v47, v11;
	v47 =	vld [tilespmem:$0xFB0]  }
0x108: {  	v18 =	vadd.f32 v36, v18;
	v36 =	vld [tilespmem:$0xDD0]  }
0x109: {  	v1 =	vadd.f32 v58, v1;
	v58 =	vld [tilespmem:$0x1FDD0]  }
0x10a: {  	v6 =	vadd.f32 v50, v6;
	v50 =	vld [tilespmem:$0x1130]  }
0x10b: {  	v11 =	vadd.f32 v51, v11;
	v51 =	vld [tilespmem:$0x9C0]  }
0x10c: {  	v18 =	vadd.f32 v32, v18;
	v32 =	vld [tilespmem:$0xD50]  }
0x10d: {  	v1 =	vadd.f32 v61, v1;
	v61 =	vld [tilespmem:$0x1FE00]  }
0x10e: {  	[tilespmem:$0x1FEC0] =	vst v62;
	v62 =	vld [tilespmem:$0xA80]  }
0x10f: {  	v7 =	vadd.f32 v53, v7;
	v53 =	vld [tilespmem:$0xA40]  }
0x110: {  	v6 =	vadd.f32 v55, v6;
	v55 =	vld [tilespmem:$0x1FE20]  }
0x111: {  	v11 =	vadd.f32 v57, v11;
	v57 =	vld [tilespmem:$0x1FE30]  }
0x112: {  	v18 =	vadd.f32 v31, v18;
	v31 =	vld [tilespmem:$0xE50]  }
0x113: {  	v1 =	vadd.f32 v49, v1;
	v49 =	vld [tilespmem:$0x10B0]  }
0x114: {  	v7 =	vadd.f32 v58, v7;
	v58 =	vld [tilespmem:$0x1FE40]  }
0x115: {  	v6 =	vadd.f32 v60, v6;
	v60 =	vld [tilespmem:$0x1FE60]  }
0x116: {  	v18 =	vadd.f32 v34, v18;
	v34 =	vld [tilespmem:$0xF50]  }
0x117: {  	v1 =	vadd.f32 v54, v1;
	v54 =	vld [tilespmem:$0x1FE10]  }
0x118: {  	v11 =	vadd.f32 v61, v11;
	v61 =	vld [tilespmem:$0x1FE70]  }
0x119: {  	[tilespmem:$0x1FEE0] =	vst v62;
	v62 =	vld [tilespmem:$0xB00]  }
0x11a: {  	v18 =	vadd.f32 v19, v18;
	v19 =	vld [tilespmem:$0x1050]  }
0x11b: {  	v1 =	vadd.f32 v59, v1;
	v59 =	vld [tilespmem:$0x1FE50]  }
0x11c: {  	v6 =	vadd.f32 v57, v6;
	v57 =	vld [tilespmem:$0xBC0]  }
0x11d: {  	v5 =	vld [tilespmem:$0x1FEE0]  }
0x11e: {  	[tilespmem:$0x1FEF0] =	vst v62;
	v62 =	vld [tilespmem:$0xB80]  }
0x11f: {  	v12 =	vadd.f32 v12, v18;
	v18 =	vld [tilespmem:$0x1150];
	v1 =	vadd.f32 v55, v1  }
0x120: {  	v55 =	vld [tilespmem:$0xB40]  }
0x121: {  	v15 =	vadd.f32 v60, v1;
	v60 =	vld [tilespmem:$0x1FEA0]  }
0x122: {  	v11 =	vadd.f32 v58, v11;
	v58 =	vld [tilespmem:$0xC40]  }
0x123: {  	v7 =	vadd.f32 v54, v7;
	[tilespmem:$0x1FF00] =	vst v62;
	v62 =	vld [tilespmem:$0xC00]  }
0x124: {  	v6 =	vadd.f32 v61, v6;
	v61 =	vld [tilespmem:$0x1FEB0]  }
0x125: {  	v7 =	vadd.f32 v59, v7;
	v59 =	vld [tilespmem:$0x1FE90]  }
0x126: {  	v6 =	vadd.f32 v60, v6;
	v60 =	vld [tilespmem:$0x1FEC0]  }
0x127: {  	v54 =	vld [tilespmem:$0xAC0]  }
0x128: {  	[tilespmem:$0x1FF10] =	vst v62;
	v62 =	vld [tilespmem:$0xC80]  }
0x129: {  	v22 =	vld [tilespmem:$0x1FEF0]  }
0x12a: {  	v7 =	vadd.f32 v59, v7;
	v59 =	vld [tilespmem:$0xCC0]  }
0x12b: {  	v1 =	vadd.f32 v13, v11;
	v11 =	vadd.f32 v60, v61;
	v60 =	vld [tilespmem:$0xD40]  }
0x12c: {  	v61 =	vld [tilespmem:$0x1FED0]  }
0x12d: {  	[tilespmem:$0x1FF20] =	vst v62;
	v62 =	vld [tilespmem:$0xD00]  }
0x12e: {  	v5 =	vadd.f32 v5, v11;
	v11 =	vld [tilespmem:$0xE40]  }
0x12f: {  	v39 =	vld [tilespmem:$0x1FF10]  }
0x130: {  	v5 =	vadd.f32 v22, v5;
	v22 =	vadd.f32 v24, v4;
	v24 =	vld [tilespmem:$0x1FF00]  }
0x131: {  	v13 =	vadd.f32 v61, v7;
	v61 =	vld [tilespmem:$0xDC0]  }
0x132: {  	[tilespmem:$0x1FF30] =	vst v62;
	v62 =	vld [tilespmem:$0xD80]  }
0x133: {  	v7 =	vld [tilespmem:$0xEC0]  }
0x134: {  	v37 =	vadd.f32 v27, v22;
	v27 =	vld [tilespmem:$0x9D0]  }
0x135: {  	v40 =	vld [tilespmem:$0x1FF20]  }
0x136: {  	v22 =	vadd.f32 v30, v37;
	v30 =	vld [tilespmem:$0xAD0]  }
0x137: {  	[tilespmem:$0x1FF40] =	vst v62;
	v62 =	vld [tilespmem:$0xE00]  }
0x138: {  	v37 =	vld [tilespmem:$0xFD0]  }
0x139: {  	v4 =	vadd.f32 v24, v5;
	v5 =	vld [tilespmem:$0x1040]  }
0x13a: {  	v22 =	vadd.f32 v33, v22;
	v33 =	vld [tilespmem:$0xC50]  }
0x13b: {  	v24 =	vadd.f32 v39, v4;
	v4 =	vld [tilespmem:$0x1140]  }
0x13c: {  	[tilespmem:$0x1FF50] =	vst v62;
	v62 =	vld [tilespmem:$0xE80]  }
0x13d: {  	v39 =	vld [tilespmem:$0xE70];
	v22 =	vadd.f32 v35, v22  }
0x13e: {  	v43 =	vld [tilespmem:$0x1FF30]  }
0x13f: {  	v22 =	vadd.f32 v38, v22;
	v38 =	vld [tilespmem:$0x9E0]  }
0x140: {  	v35 =	vld [tilespmem:$0xCD0]  }
0x141: {  	v22 =	vadd.f32 v41, v22;
	[tilespmem:$0x1FF70] =	vst v62;
	v62 =	vld [tilespmem:$0xF00]  }
0x142: {  	v45 =	vld [tilespmem:$0x1FF40]  }
0x143: {  	v24 =	vadd.f32 v40, v24;
	v22 =	vadd.f32 v42, v22;
	v42 =	vld [tilespmem:$0x1FF90]  }
0x144: {  	v12 =	vadd.f32 v16, v12;
	v16 =	vadd.f32 v56, v38;
	v56 =	vld [tilespmem:$0xCE0]  }
0x145: {  	v24 =	vadd.f32 v43, v24;
	v52 =	vld [tilespmem:$0x1FF50]  }
0x146: {  	v22 =	vadd.f32 v44, v22;
	[tilespmem:$0x1FF80] =	vst v62;
	v62 =	vld [tilespmem:$0xF80]  }
0x147: {  	v24 =	vadd.f32 v45, v24;
	v45 =	vld [tilespmem:$0x1FFB0]  }
0x148: {  	v44 =	vadd.f32 v46, v22;
	v46 =	vld [tilespmem:$0x1FFC0]  }
0x149: {  	v27 =	vadd.f32 v28, v27;
	v2 =	vadd.f32 v42, v2;
	v40 =	vld [tilespmem:$0x1FF70]  }
0x14a: {  	v41 =	vld [tilespmem:$0x1FF80]  }
0x14b: {  	v27 =	vadd.f32 v30, v27;
	v2 =	vadd.f32 v21, v2;
	[tilespmem:$0x1FFA0] =	vst v62;
	v62 =	vld [tilespmem:$0x1080]  }
0x14c: {  	v21 =	vadd.f32 v47, v44;
	v44 =	vld [tilespmem:$0x9F0];
	v24 =	vadd.f32 v52, v24  }
0x14d: {  	v8 =	vadd.f32 v8, v12;
	v25 =	vadd.f32 v25, v27;
	v43 =	vld [tilespmem:$0x1FFA0]  }
0x14e: {  	v47 =	vld [tilespmem:$0xAE0];
	v21 =	vadd.f32 v48, v21;
	v24 =	vadd.f32 v40, v24  }
0x14f: {  	v25 =	vadd.f32 v29, v25;
	v2 =	vadd.f32 v46, v2;
	v46 =	vld [tilespmem:$0xA70]  }
0x150: {  	v21 =	vadd.f32 v49, v21;
	v49 =	vld [tilespmem:$0xAF0];
	v24 =	vadd.f32 v41, v24;
	[tilespmem:$0x1FFD0] =	vst v62  }
0x151: {  	v0 =	vadd.f32 v0, v8;
	v48 =	vadd.f32 v53, v51;
	v52 =	vld [tilespmem:$0x1FFD0]  }
0x152: {  	v25 =	vadd.f32 v33, v25;
	v51 =	vld [tilespmem:$0xB70];
	v24 =	vadd.f32 v43, v24  }
0x153: {  	v53 =	vld [tilespmem:$0xBF0];
	v8 =	vadd.f32 v54, v48;
	v21 =	vadd.f32 v50, v21  }
0x154: {  	v50 =	vld [tilespmem:$0xB60];
	v12 =	vadd.f32 v46, v44;
	v24 =	vadd.f32 v45, v24  }
0x155: {  	v25 =	vadd.f32 v35, v25;
	v54 =	vld [tilespmem:$0xC60];
	v8 =	vadd.f32 v55, v8  }
0x156: {  	v12 =	vadd.f32 v49, v12;
	v24 =	vadd.f32 v52, v24;
	v52 =	vld [tilespmem:$0xBE0]  }
0x157: {  	v16 =	vadd.f32 v47, v16;
	v55 =	vld [tilespmem:$0xC70];
	v8 =	vadd.f32 v57, v8  }
0x158: {  	v25 =	vadd.f32 v32, v25;
	v57 =	vld [tilespmem:$0xCF0];
	v12 =	vadd.f32 v51, v12  }
0x159: {  	v8 =	vadd.f32 v58, v8;
	v16 =	vadd.f32 v50, v16;
	v62 =	vld [tilespmem:$0x1110]  }
0x15a: {  	v2 =	vadd.f32 v63, v2;
	v63 =	vld [tilespmem:$0xDF0];
	v12 =	vadd.f32 v53, v12  }
0x15b: {  	v8 =	vadd.f32 v59, v8;
	v59 =	vld [tilespmem:$0xD70];
	v16 =	vadd.f32 v52, v16  }
0x15c: {  	v25 =	vadd.f32 v36, v25;
	v58 =	vld [tilespmem:$0xD60];
	v12 =	vadd.f32 v55, v12  }
0x15d: {  	v8 =	vadd.f32 v60, v8;
	v45 =	vld [tilespmem:$0x1FFE0];
	v16 =	vadd.f32 v54, v16  }
0x15e: {  	v12 =	vadd.f32 v57, v12;
	v2 =	vadd.f32 v62, v2;
	v62 =	vld [tilespmem:$0xDE0]  }
0x15f: {  	v38 =	vld [tilespmem:$0xE60];
	v25 =	vadd.f32 v31, v25;
	v16 =	vadd.f32 v56, v16  }
0x160: {  	v22 =	vld [tilespmem:$0x10D0];
	v8 =	vadd.f32 v61, v8;
	v12 =	vadd.f32 v59, v12  }
0x161: {  	v42 =	vld [tilespmem:$0xEF0];
	v46 =	vadd.f32 v23, v25;
	v16 =	vadd.f32 v58, v16  }
0x162: {  	v40 =	vld [tilespmem:$0xEE0];
	v8 =	vadd.f32 v11, v8;
	v12 =	vadd.f32 v63, v12  }
0x163: {  	v24 =	vadd.f32 v45, v24;
	v45 =	vld [tilespmem:$0xF70];
	v41 =	vadd.f32 v62, v16  }
0x164: {  	[tilespmem:$0x1190] =	vst v14;
	v14 =	vadd.f32 v34, v46;
	v43 =	vld [tilespmem:$0xF60];
	v12 =	vadd.f32 v39, v12  }
0x165: {  	[tilespmem:$0x1180] =	vst v20;
	v48 =	vld [tilespmem:$0xFF0];
	v7 =	vadd.f32 v7, v8;
	v44 =	vadd.f32 v38, v41  }
0x166: {  	[tilespmem:$0x11B0] =	vst v26;
	v47 =	vld [tilespmem:$0xFE0];
	v51 =	vadd.f32 v37, v14;
	v12 =	vadd.f32 v42, v12  }
0x167: {  	[tilespmem:$0x11A0] =	vst v17;
	v50 =	vld [tilespmem:$0x1070];
	v7 =	vadd.f32 v10, v7;
	v8 =	vadd.f32 v40, v44  }
0x168: {  	[tilespmem:$0x11D0] =	vst v1;
	v49 =	vld [tilespmem:$0x1060];
	v1 =	vadd.f32 v19, v51;
	v11 =	vadd.f32 v45, v12  }
0x169: {  	[tilespmem:$0x11C0] =	vst v15;
	v7 =	vadd.f32 v9, v7;
	v54 =	vld [tilespmem:$0x10F0];
	v8 =	vadd.f32 v43, v8  }
0x16a: {  	[tilespmem:$0x1220] =	vst v0;
	v1 =	vadd.f32 v22, v1;
	v52 =	vld [tilespmem:$0x10E0];
	v55 =	vadd.f32 v48, v11  }
0x16b: {  	[tilespmem:$0x11E0] =	vst v6;
	v5 =	vadd.f32 v5, v7;
	v58 =	vld [tilespmem:$0x1170];
	v53 =	vadd.f32 v47, v8  }
0x16c: {  	[tilespmem:$0x11F0] =	vst v13;
	v1 =	vadd.f32 v18, v1;
	v56 =	vld [tilespmem:$0x1160];
	v59 =	vadd.f32 v50, v55  }
0x16d: {  	[tilespmem:$0x1230] =	vst v21;
	v3 =	vadd.f32 v3, v5;
	v57 =	vadd.f32 v49, v53  }
0x16e: {  	[tilespmem:$0x1210] =	vst v2;
	v2 =	vadd.f32 v54, v59  }
0x16f: {  	[tilespmem:$0x1250] =	vst v1;
	v60 =	vadd.f32 v4, v3;
	v61 =	vadd.f32 v52, v57  }
0x170: {  	[tilespmem:$0x1200] =	vst v24;
	v63 =	vadd.f32 v58, v2  }
0x171: {  	[tilespmem:$0x1240] =	vst v60;
	v62 =	vadd.f32 v56, v61  }
0x172: {  	p0 =	sne.s32 s6, $0x1;
	[tilespmem:$0x1270] =	vst v63  }
.Ltmp0:
0x173: {  	[tilespmem:$0x1260] =	vst v62;
	(pc) =	sbr.rel @p0 .LBB2_1-.Ltmp0, $4  }
0x174: {  	[hbm4b:s5+s3] =	stream.linear.scatter [tilespmem:s12], [sflag:$0x2], $0x100, $0x38;
	[tilespmem:$0x1280] =	vst v63  }
0x175: {  	_ =	swait.ge [sflag:s7], $0x100  }
0x176: {  	[sflag:s7] =	ssyncset.done $0x0  }
0x177: {  	s6 =	sadd.s32 $0xFFFFFFFF, s6;
	[sflag:s7] =	ssyncadd.s32 $0xFFFFFF00  }
0x178: {  	_ =	sfence.sel $0x180000  }
0x179: {  	[bflag:$0x0] =	sbarrier.arrive $0xFFFF  }
0x17a: {  	p0 =	sne.s32 s2, $0x0;
	_ =	strace $0x90000047  }
0x17b: {  	s0 =	sadd.s32 @!p0 $0x100000, s0;
	[bflag:$0x2] =	sbarrier.arrive $0xFFFF  }
0x17c: {  	[sflag:s0] =	ssyncadd.tile.s32 @!p0 $0x1;
	_ =	shalt  }
.Lfunc_end2:
_tile_overlayer_lowered:
.L_overlay_start_2:
0x17d: {  	(tag) =	ssettag $0x2  }
0x17e: {  	s0 =	rddreg [dreg:$0x0];
	s2 =	stileid.u32  }
0x17f: {  	s1 =	rddreg [dreg:$0x1];
	p0 =	sne.s32 s2, $0x0  }
0x180: {  	s3 =	rddreg [dreg:$0x2];
	[bflag:$0x3] =	sbarrier.arrive $0xFFFF;
	s2 =	simm.s32 @!p0 $0x1C02  }
0x181: {  	[timem:s3], [sflag:s2] =	dma.local @!p0 [hbm:s0], s1  }
0x182: {  	s0 =	simm.s32 @!p0 $0x2  }
0x183: {  	_ =	swait.ge @!p0 [sflag:s0], s1  }
0x184: {  	s1 =	ssub.s32 @!p0 $0x0, s1;
	[sflag:s0] =	ssyncset.done @!p0 $0x0  }
0x185: {  	[sflag:s0] =	ssyncadd.s32 @!p0 s1  }
0x186: {  	[bflag:$0x3] =	sbarrier.arrive $0xFFFF  }
0x187: {  	_ =	shalt  }

</sc_bundles>
